<compile_context>
chip_gen: v7x
topology: tpu7x:2x2x1
jax: 0.10.2.dev20260603
libtpu: 0.0.44.dev20260713+nightly
codegen_flags: <defaults>
</compile_context>

<pallas_src>
import functools

import jax
import jax.numpy as jnp
from jax.experimental import pallas as pl
from jax.experimental.pallas import tpu as pltpu
from jax.experimental.pallas import tpu_sc as plsc

_N = 10000
_N_PAD = 10240
_D = 128
_HD = 64
_NG = 16
_E = 320000
_E_PAD = 327680
_NCH_D = 80
_NCH_M = 160
_RPT = _N_PAD // 16
_BLK = 1024
_HI = jax.lax.Precision.HIGHEST

_mesh = plsc.VectorSubcoreMesh(core_axis_name="c", subcore_axis_name="s")


def _leaky(x):
    return jnp.where(x >= 0, x, 0.01 * x)


def _sc_deg(dst_r, ones_rows, zrow):
    @functools.partial(
        pl.kernel,
        out_type=jax.ShapeDtypeStruct((2, _N_PAD, _HD), jnp.float32),
        mesh=_mesh,
        compiler_params=pltpu.CompilerParams(use_tc_tiling_on_sc=False),
        scratch_types=[
            pltpu.VMEM((_NCH_D, 128), jnp.int32),
            pltpu.VMEM((128, _HD), jnp.float32),
            pltpu.VMEM_SHARED((_N_PAD, _HD), jnp.float32),
        ],
    )
    def k(dst_hbm, ones_hbm, z_hbm, out_hbm, dst_v, ones_v, table):
        c = jax.lax.axis_index("c")
        s = jax.lax.axis_index("s")
        w = c * 16 + s
        pltpu.sync_copy(dst_hbm.at[w], dst_v)
        pltpu.sync_copy(z_hbm, ones_v)
        for t in range(_RPT // 128):
            pltpu.sync_copy(ones_v, table.at[pl.ds(s * _RPT + t * 128, 128)])
        pltpu.sync_copy(ones_hbm, ones_v)
        plsc.subcore_barrier()

        def body(j, carry):
            pltpu.sync_copy(ones_v, table.at[dst_v.at[j]], add=True)
            return carry

        jax.lax.fori_loop(0, _NCH_D, body, 0)
        plsc.subcore_barrier()
        pltpu.sync_copy(table.at[pl.ds(s * _RPT, _RPT)],
                        out_hbm.at[c].at[pl.ds(s * _RPT, _RPT)])

    return k(dst_r, ones_rows, zrow)


def _sc_msg(g, src_r, dst_r, zrow):
    @functools.partial(
        pl.kernel,
        out_type=jax.ShapeDtypeStruct((2, _N_PAD, _HD), jnp.float32),
        mesh=_mesh,
        compiler_params=pltpu.CompilerParams(use_tc_tiling_on_sc=False),
        scratch_types=[
            pltpu.VMEM((_NCH_M, 128), jnp.int32),
            pltpu.VMEM((_NCH_M, 128), jnp.int32),
            pltpu.VMEM((128, _HD), jnp.float32),
            pltpu.VMEM((128, _HD), jnp.float32),
            pltpu.VMEM_SHARED((_N_PAD, _HD), jnp.float32),
            pltpu.SemaphoreType.DMA,
            pltpu.SemaphoreType.DMA,
        ],
    )
    def k(g_hbm, src_hbm, dst_hbm, z_hbm, out_hbm,
          src_v, dst_v, buf0, buf1, acc, sem0, sem1):
        c = jax.lax.axis_index("c")
        s = jax.lax.axis_index("s")
        pltpu.sync_copy(src_hbm.at[s], src_v)
        pltpu.sync_copy(dst_hbm.at[s], dst_v)
        pltpu.sync_copy(z_hbm, buf0)
        for t in range(_RPT // 128):
            pltpu.sync_copy(buf0, acc.at[pl.ds(s * _RPT + t * 128, 128)])
        plsc.subcore_barrier()

        pltpu.async_copy(g_hbm.at[c].at[src_v.at[0]], buf0, sem0)
        pltpu.async_copy(g_hbm.at[c].at[src_v.at[1]], buf1, sem1)

        def body(i, carry):
            j = 2 * i
            pltpu.make_async_copy(g_hbm.at[c].at[src_v.at[j]],
                                  buf0, sem0).wait()
            pltpu.sync_copy(buf0, acc.at[dst_v.at[j]], add=True)

            @pl.when(j + 2 < _NCH_M)
            def _():
                pltpu.async_copy(g_hbm.at[c].at[src_v.at[j + 2]], buf0, sem0)

            pltpu.make_async_copy(g_hbm.at[c].at[src_v.at[j + 1]],
                                  buf1, sem1).wait()
            pltpu.sync_copy(buf1, acc.at[dst_v.at[j + 1]], add=True)

            @pl.when(j + 3 < _NCH_M)
            def _():
                pltpu.async_copy(g_hbm.at[c].at[src_v.at[j + 3]], buf1, sem1)

            return carry

        jax.lax.fori_loop(0, _NCH_M // 2, body, 0)
        plsc.subcore_barrier()
        pltpu.sync_copy(acc.at[pl.ds(s * _RPT, _RPT)],
                        out_hbm.at[c].at[pl.ds(s * _RPT, _RPT)])

    return k(g, src_r, dst_r, zrow)


def _tc1_kernel(x_ref, w_ref, deg_ref, dis_ref, g_ref):
    deg = deg_ref[0][:, :1] + deg_ref[1][:, :1]
    dis = jax.lax.rsqrt(deg + 1.0)
    dis_ref[...] = dis
    g = jnp.dot(x_ref[...], w_ref[...], precision=_HI,
                preferred_element_type=jnp.float32) * dis
    g_ref[0] = g[:, :_HD]
    g_ref[1] = g[:, _HD:]


def _tc1(x_p, W1, deg2):
    return pl.pallas_call(
        _tc1_kernel,
        grid=(_N_PAD // _BLK,),
        in_specs=[
            pl.BlockSpec((_BLK, _D), lambda i: (i, 0)),
            pl.BlockSpec((_D, _D), lambda i: (0, 0)),
            pl.BlockSpec((2, _BLK, _HD), lambda i: (0, i, 0)),
        ],
        out_specs=[
            pl.BlockSpec((_BLK, 1), lambda i: (i, 0)),
            pl.BlockSpec((2, _BLK, _HD), lambda i: (0, i, 0)),
        ],
        out_shape=[
            jax.ShapeDtypeStruct((_N_PAD, 1), jnp.float32),
            jax.ShapeDtypeStruct((2, _N_PAD, _HD), jnp.float32),
        ],
    )(x_p, W1, deg2)


def _tc2_kernel(acc_ref, g_ref, dis_ref, b_ref, w_ref, out_ref):
    a = jnp.concatenate([acc_ref[0] + g_ref[0], acc_ref[1] + g_ref[1]],
                        axis=1)
    h = _leaky(a * dis_ref[...] + b_ref[...])
    o = jnp.dot(h, w_ref[...], precision=_HI,
                preferred_element_type=jnp.float32) * dis_ref[...]
    out_ref[0] = o[:, :_HD]
    out_ref[1] = o[:, _HD:]


def _tc2(acc1, g1, dis, b1, W2):
    return pl.pallas_call(
        _tc2_kernel,
        grid=(_N_PAD // _BLK,),
        in_specs=[
            pl.BlockSpec((2, _BLK, _HD), lambda i: (0, i, 0)),
            pl.BlockSpec((2, _BLK, _HD), lambda i: (0, i, 0)),
            pl.BlockSpec((_BLK, 1), lambda i: (i, 0)),
            pl.BlockSpec((_D,), lambda i: (0,)),
            pl.BlockSpec((_D, _D), lambda i: (0, 0)),
        ],
        out_specs=pl.BlockSpec((2, _BLK, _HD), lambda i: (0, i, 0)),
        out_shape=jax.ShapeDtypeStruct((2, _N_PAD, _HD), jnp.float32),
    )(acc1, g1, dis, b1, W2)


def _tc3_kernel(acc_ref, g_ref, dis_ref, b2_ref, batch_ref, fc1w_ref,
                fc1b_ref, lng_ref, lnb_ref, fc2w_ref, fc2b_ref, out_ref,
                sum_ref, cnt_ref):
    i = pl.program_id(0)
    nblk = pl.num_programs(0)

    @pl.when(i == 0)
    def _init():
        sum_ref[...] = jnp.zeros_like(sum_ref)
        cnt_ref[...] = jnp.zeros_like(cnt_ref)

    a = jnp.concatenate([acc_ref[0] + g_ref[0], acc_ref[1] + g_ref[1]],
                        axis=1)
    h = _leaky(a * dis_ref[...] + b2_ref[...])
    b = batch_ref[...]
    onehot = (b == jax.lax.broadcasted_iota(jnp.int32, (1, _NG), 1))
    onehot = onehot.astype(jnp.float32)
    sum_ref[...] += jax.lax.dot_general(onehot, h, (((0,), (0,)), ((), ())),
                                        precision=_HI,
                                        preferred_element_type=jnp.float32)
    cnt_ref[...] += jnp.sum(onehot, axis=0, keepdims=True)

    @pl.when(i == nblk - 1)
    def _head():
        pooled = sum_ref[...] / jnp.maximum(cnt_ref[...], 1.0).reshape(_NG, 1)
        z = _leaky(jnp.dot(pooled, fc1w_ref[...], precision=_HI,
                           preferred_element_type=jnp.float32) + fc1b_ref[...])
        mu = jnp.mean(z, axis=-1, keepdims=True)
        var = jnp.mean((z - mu) ** 2, axis=-1, keepdims=True)
        z = (z - mu) * jax.lax.rsqrt(var + 1e-5) * lng_ref[...] + lnb_ref[...]
        out_ref[...] = jnp.dot(z, fc2w_ref[...], precision=_HI,
                               preferred_element_type=jnp.float32) + fc2b_ref[...]


def _tc3(acc2, g2, dis, b2, batch_p, fc1_W, fc1_b, ln_g, ln_b, fc2_W, fc2_b):
    return pl.pallas_call(
        _tc3_kernel,
        grid=(_N_PAD // _BLK,),
        in_specs=[
            pl.BlockSpec((2, _BLK, _HD), lambda i: (0, i, 0)),
            pl.BlockSpec((2, _BLK, _HD), lambda i: (0, i, 0)),
            pl.BlockSpec((_BLK, 1), lambda i: (i, 0)),
            pl.BlockSpec((_D,), lambda i: (0,)),
            pl.BlockSpec((_BLK, 1), lambda i: (i, 0)),
            pl.BlockSpec((_D, 128), lambda i: (0, 0)),
            pl.BlockSpec((128,), lambda i: (0,)),
            pl.BlockSpec((128,), lambda i: (0,)),
            pl.BlockSpec((128,), lambda i: (0,)),
            pl.BlockSpec((128, 1), lambda i: (0, 0)),
            pl.BlockSpec((1,), lambda i: (0,)),
        ],
        out_specs=pl.BlockSpec((_NG, 1), lambda i: (0, 0)),
        out_shape=jax.ShapeDtypeStruct((_NG, 1), jnp.float32),
        scratch_shapes=[
            pltpu.VMEM((_NG, _D), jnp.float32),
            pltpu.VMEM((1, _NG), jnp.float32),
        ],
    )(acc2, g2, dis, b2, batch_p, fc1_W, fc1_b, ln_g, ln_b, fc2_W, fc2_b)


def kernel(x, edge_index, batch, W1, b1, W2, b2, fc1_W, fc1_b, ln_g, ln_b,
           fc2_W, fc2_b):
    src, dst = edge_index[0], edge_index[1]
    pad_idx = jnp.full((_E_PAD - _E,), _N, jnp.int32)
    src_p = jnp.concatenate([src, pad_idx])
    dst_p = jnp.concatenate([dst, pad_idx])
    dst_d = dst_p.reshape(32, _NCH_D, 128)
    src_m = src_p.reshape(16, _NCH_M, 128)
    dst_m = dst_p.reshape(16, _NCH_M, 128)
    x_p = jnp.pad(x, ((0, _N_PAD - _N), (0, 0)))
    batch_p = jnp.pad(batch.astype(jnp.int32), (0, _N_PAD - _N),
                      constant_values=_NG).reshape(_N_PAD, 1)
    ones_rows = jnp.ones((128, _HD), jnp.float32)
    zrow = jnp.zeros((128, _HD), jnp.float32)

    deg2 = _sc_deg(dst_d, ones_rows, zrow)
    dis, g1 = _tc1(x_p, W1, deg2)
    acc1 = _sc_msg(g1, src_m, dst_m, zrow)
    g2 = _tc2(acc1, g1, dis, b1, W2)
    acc2 = _sc_msg(g2, src_m, dst_m, zrow)
    return _tc3(acc2, g2, dis, b2, batch_p, fc1_W, fc1_b, ln_g, ln_b,
                fc2_W, fc2_b)

# --- scband reference (transcript-rebuilt; emitter-appended) ---
"""Pipeline reference for scband-simplified-multi-gcn-33028298506592 (READ-ONLY COPY).

The authoritative reference and input builder live on the scoring server;
editing this copy changes nothing except your own understanding.
"""

import jax, jax.numpy as jnp
import numpy as np

N = 10000
E = 320000
D = 128
NG = 16


def setup_inputs(seed: int = 0) -> dict:
    key = jax.random.key(seed)
    ks = jax.random.split(key, 16)
    x = jax.random.normal(ks[0], (N, D), dtype=jnp.float32)
    edge_index = jax.random.randint(ks[1], (2, E), 0, N, dtype=jnp.int32)
    batch = jnp.sort(jax.random.randint(ks[2], (N,), 0, NG, dtype=jnp.int32))
    s = 1.0 / np.sqrt(D)
    W1 = jax.random.uniform(ks[3], (D, D), jnp.float32, -s, s)
    b1 = jnp.zeros((D,), jnp.float32)
    W2 = jax.random.uniform(ks[4], (D, D), jnp.float32, -s, s)
    b2 = jnp.zeros((D,), jnp.float32)
    fc1_W = jax.random.uniform(ks[5], (D, 128), jnp.float32, -s, s)
    fc1_b = jax.random.uniform(ks[6], (128,), jnp.float32, -s, s)
    ln_g = jnp.ones((128,), jnp.float32)
    ln_b = jnp.zeros((128,), jnp.float32)
    s2 = 1.0 / np.sqrt(128)
    fc2_W = jax.random.uniform(ks[7], (128, 1), jnp.float32, -s2, s2)
    fc2_b = jax.random.uniform(ks[8], (1,), jnp.float32, -s2, s2)
    return {"x": x, "edge_index": edge_index, "batch": batch,
            "W1": W1, "b1": b1, "W2": W2, "b2": b2,
            "fc1_W": fc1_W, "fc1_b": fc1_b, "ln_g": ln_g, "ln_b": ln_b,
            "fc2_W": fc2_W, "fc2_b": fc2_b}


def _gcn_conv(x, src, dst, W, b):
    # PyG GCNConv: add self loops, symmetric normalization, x' = A_hat @ (x W) + b
    n = x.shape[0]
    loop = jnp.arange(n, dtype=src.dtype)
    src2 = jnp.concatenate([src, loop])
    dst2 = jnp.concatenate([dst, loop])
    deg = jax.ops.segment_sum(jnp.ones_like(src2, dtype=x.dtype), dst2, num_segments=n)
    dis = jnp.where(deg > 0, jax.lax.rsqrt(jnp.maximum(deg, 1e-12)), 0.0)
    norm = dis[src2] * dis[dst2]
    h = x @ W
    msg = jnp.take(h, src2, axis=0) * norm[:, None]
    out = jax.ops.segment_sum(msg, dst2, num_segments=n)
    return out + b


def _leaky_relu(x):
    return jnp.where(x >= 0, x, 0.01 * x)


def _layer_norm(x, g, b, eps=1e-5):
    mu = jnp.mean(x, axis=-1, keepdims=True)
    var = jnp.mean((x - mu) ** 2, axis=-1, keepdims=True)
    return (x - mu) / jnp.sqrt(var + eps) * g + b


def reference(x, edge_index, batch, W1, b1, W2, b2, fc1_W, fc1_b, ln_g, ln_b, fc2_W, fc2_b):
    src, dst = edge_index[0], edge_index[1]
    h = _leaky_relu(_gcn_conv(x, src, dst, W1, b1))
    h = _leaky_relu(_gcn_conv(h, src, dst, W2, b2))
    # global mean pool per graph
    summed = jax.ops.segment_sum(h, batch, num_segments=NG)
    cnt = jax.ops.segment_sum(jnp.ones((h.shape[0],), h.dtype), batch, num_segments=NG)
    pooled = summed / jnp.maximum(cnt, 1.0)[:, None]
    # fc block: Linear -> LeakyReLU -> LayerNorm -> Linear
    z = _leaky_relu(pooled @ fc1_W + fc1_b)
    z = _layer_norm(z, ln_g, ln_b)
    out = z @ fc2_W + fc2_b
    return out

if __name__ == "__main__":
    import jax
    _d = setup_inputs()
    print(jax.jit(kernel)(*tuple(_d.values())))

</pallas_src>

<mosaic_0001>
#map = affine_map<(d0, d1) -> (0, 0, 0)>
#map1 = affine_map<(d0, d1) -> (0, 0)>
module attributes {stable_mosaic.version = 14 : i64} {
  func.func @k(%arg0: i32, %arg1: i32, %arg2: memref<2x10240x64xf32, #tpu.memory_space<hbm>>, %arg3: memref<16x160x128xi32, #tpu.memory_space<hbm>>, %arg4: memref<16x160x128xi32, #tpu.memory_space<hbm>>, %arg5: memref<128x64xf32, #tpu.memory_space<hbm>>, %arg6: memref<2x10240x64xf32, #tpu.memory_space<hbm>>, %arg7: memref<160x128xi32, #tpu.memory_space<vmem>>, %arg8: memref<160x128xi32, #tpu.memory_space<vmem>>, %arg9: memref<128x64xf32, #tpu.memory_space<vmem>>, %arg10: memref<128x64xf32, #tpu.memory_space<vmem>>, %arg11: memref<10240x64xf32, #tpu.memory_space<vmem_shared>>, %arg12: memref<!tpu.dma_semaphore, #tpu.memory_space<semaphore_mem>>, %arg13: memref<!tpu.dma_semaphore, #tpu.memory_space<semaphore_mem>>) attributes {dimension_semantics = [#tpu.dimension_semantics<core_parallel>, #tpu.dimension_semantics<subcore_parallel>], iteration_bounds = array<i64: 2, 16>, scalar_prefetch = 0 : i64, scratch_operands = 7 : i64, tpu.core_type = #tpu.core_type<sc_vector_subcore>, window_params = [{transform_indices = #map}, {transform_indices = #map}, {transform_indices = #map}, {transform_indices = #map1}, {transform_indices = #map}]} {
    "tpu.region"() ({
      %run_scoped3A = tpu.sem_alloc : memref<!tpu.dma_semaphore, #tpu.memory_space<semaphore_mem>>
      %dma_start3A_49 = arith.constant 0 : i32
      %dma_start3A_50 = arith.constant 0 : i32
      %dma_start3A_51 = tpu.memref_slice %arg3[%arg1, %dma_start3A_49, %dma_start3A_50] : memref<16x160x128xi32, #tpu.memory_space<hbm>> -> memref<1x160x128xi32, #tpu.memory_space<hbm>>
      %dma_start3A_52 = tpu.memref_squeeze %dma_start3A_51 : memref<1x160x128xi32, #tpu.memory_space<hbm>> -> memref<160x128xi32, #tpu.memory_space<hbm>>
      %dma_start3A_53 = arith.constant 0 : i32
      %dma_start3A_54 = arith.constant 0 : i32
      %dma_start3A_55 = tpu.memref_slice %arg3[%arg1, %dma_start3A_53, %dma_start3A_54] : memref<16x160x128xi32, #tpu.memory_space<hbm>> -> memref<1x160x128xi32, #tpu.memory_space<hbm>>
      %dma_start3A_56 = tpu.memref_squeeze %dma_start3A_55 : memref<1x160x128xi32, #tpu.memory_space<hbm>> -> memref<160x128xi32, #tpu.memory_space<hbm>>
      tpu.enqueue_dma source(%dma_start3A_56 : memref<160x128xi32, #tpu.memory_space<hbm>>) target(%arg7 : memref<160x128xi32, #tpu.memory_space<vmem>>) target_semaphore(%run_scoped3A : memref<!tpu.dma_semaphore, #tpu.memory_space<semaphore_mem>>)
      %dma_wait3A = arith.constant 0 : i32
      %dma_wait3A_57 = arith.constant 0 : i32
      %dma_wait3A_58 = tpu.memref_slice %arg3[%arg1, %dma_wait3A, %dma_wait3A_57] : memref<16x160x128xi32, #tpu.memory_space<hbm>> -> memref<1x160x128xi32, #tpu.memory_space<hbm>>
      %dma_wait3A_59 = tpu.memref_squeeze %dma_wait3A_58 : memref<1x160x128xi32, #tpu.memory_space<hbm>> -> memref<160x128xi32, #tpu.memory_space<hbm>>
      %dma_wait3A_60 = arith.constant 0 : i32
      %dma_wait3A_61 = arith.constant 0 : i32
      %dma_wait3A_62 = tpu.memref_slice %arg3[%arg1, %dma_wait3A_60, %dma_wait3A_61] : memref<16x160x128xi32, #tpu.memory_space<hbm>> -> memref<1x160x128xi32, #tpu.memory_space<hbm>>
      %dma_wait3A_63 = tpu.memref_squeeze %dma_wait3A_62 : memref<1x160x128xi32, #tpu.memory_space<hbm>> -> memref<160x128xi32, #tpu.memory_space<hbm>>
      tpu.wait_dma2 semaphore(%run_scoped3A : memref<!tpu.dma_semaphore, #tpu.memory_space<semaphore_mem>>) src(%dma_wait3A_63 : memref<160x128xi32, #tpu.memory_space<hbm>>) dst(%arg7 : memref<160x128xi32, #tpu.memory_space<vmem>>)
      tpu.yield
    }) : () -> ()
    "tpu.region"() ({
      %run_scoped3A = tpu.sem_alloc : memref<!tpu.dma_semaphore, #tpu.memory_space<semaphore_mem>>
      %dma_start3A_49 = arith.constant 0 : i32
      %dma_start3A_50 = arith.constant 0 : i32
      %dma_start3A_51 = tpu.memref_slice %arg4[%arg1, %dma_start3A_49, %dma_start3A_50] : memref<16x160x128xi32, #tpu.memory_space<hbm>> -> memref<1x160x128xi32, #tpu.memory_space<hbm>>
      %dma_start3A_52 = tpu.memref_squeeze %dma_start3A_51 : memref<1x160x128xi32, #tpu.memory_space<hbm>> -> memref<160x128xi32, #tpu.memory_space<hbm>>
      %dma_start3A_53 = arith.constant 0 : i32
      %dma_start3A_54 = arith.constant 0 : i32
      %dma_start3A_55 = tpu.memref_slice %arg4[%arg1, %dma_start3A_53, %dma_start3A_54] : memref<16x160x128xi32, #tpu.memory_space<hbm>> -> memref<1x160x128xi32, #tpu.memory_space<hbm>>
      %dma_start3A_56 = tpu.memref_squeeze %dma_start3A_55 : memref<1x160x128xi32, #tpu.memory_space<hbm>> -> memref<160x128xi32, #tpu.memory_space<hbm>>
      tpu.enqueue_dma source(%dma_start3A_56 : memref<160x128xi32, #tpu.memory_space<hbm>>) target(%arg8 : memref<160x128xi32, #tpu.memory_space<vmem>>) target_semaphore(%run_scoped3A : memref<!tpu.dma_semaphore, #tpu.memory_space<semaphore_mem>>)
      %dma_wait3A = arith.constant 0 : i32
      %dma_wait3A_57 = arith.constant 0 : i32
      %dma_wait3A_58 = tpu.memref_slice %arg4[%arg1, %dma_wait3A, %dma_wait3A_57] : memref<16x160x128xi32, #tpu.memory_space<hbm>> -> memref<1x160x128xi32, #tpu.memory_space<hbm>>
      %dma_wait3A_59 = tpu.memref_squeeze %dma_wait3A_58 : memref<1x160x128xi32, #tpu.memory_space<hbm>> -> memref<160x128xi32, #tpu.memory_space<hbm>>
      %dma_wait3A_60 = arith.constant 0 : i32
      %dma_wait3A_61 = arith.constant 0 : i32
      %dma_wait3A_62 = tpu.memref_slice %arg4[%arg1, %dma_wait3A_60, %dma_wait3A_61] : memref<16x160x128xi32, #tpu.memory_space<hbm>> -> memref<1x160x128xi32, #tpu.memory_space<hbm>>
      %dma_wait3A_63 = tpu.memref_squeeze %dma_wait3A_62 : memref<1x160x128xi32, #tpu.memory_space<hbm>> -> memref<160x128xi32, #tpu.memory_space<hbm>>
      tpu.wait_dma2 semaphore(%run_scoped3A : memref<!tpu.dma_semaphore, #tpu.memory_space<semaphore_mem>>) src(%dma_wait3A_63 : memref<160x128xi32, #tpu.memory_space<hbm>>) dst(%arg8 : memref<160x128xi32, #tpu.memory_space<vmem>>)
      tpu.yield
    }) : () -> ()
    "tpu.region"() ({
      %run_scoped3A = tpu.sem_alloc : memref<!tpu.dma_semaphore, #tpu.memory_space<semaphore_mem>>
      tpu.enqueue_dma source(%arg5 : memref<128x64xf32, #tpu.memory_space<hbm>>) target(%arg9 : memref<128x64xf32, #tpu.memory_space<vmem>>) target_semaphore(%run_scoped3A : memref<!tpu.dma_semaphore, #tpu.memory_space<semaphore_mem>>)
      tpu.wait_dma2 semaphore(%run_scoped3A : memref<!tpu.dma_semaphore, #tpu.memory_space<semaphore_mem>>) src(%arg5 : memref<128x64xf32, #tpu.memory_space<hbm>>) dst(%arg9 : memref<128x64xf32, #tpu.memory_space<vmem>>)
      tpu.yield
    }) : () -> ()
    %mul3A = arith.constant 640 : i32
    %mul3A_0 = arith.muli %arg1, %mul3A : i32
    %add3A = arith.constant 0 : i32
    %add3A_1 = arith.addi %mul3A_0, %add3A : i32
    "tpu.region"() ({
      %run_scoped3A = tpu.sem_alloc : memref<!tpu.dma_semaphore, #tpu.memory_space<semaphore_mem>>
      %dma_start3A_49 = arith.constant 0 : i32
      %dma_start3A_50 = tpu.memref_slice %arg11[%add3A_1, %dma_start3A_49] : memref<10240x64xf32, #tpu.memory_space<vmem_shared>> -> memref<128x64xf32, #tpu.memory_space<vmem_shared>>
      %dma_start3A_51 = arith.constant 0 : i32
      %dma_start3A_52 = tpu.memref_slice %arg11[%add3A_1, %dma_start3A_51] : memref<10240x64xf32, #tpu.memory_space<vmem_shared>> -> memref<128x64xf32, #tpu.memory_space<vmem_shared>>
      tpu.enqueue_dma source(%arg9 : memref<128x64xf32, #tpu.memory_space<vmem>>) target(%dma_start3A_52 : memref<128x64xf32, #tpu.memory_space<vmem_shared>>) target_semaphore(%run_scoped3A : memref<!tpu.dma_semaphore, #tpu.memory_space<semaphore_mem>>)
      %dma_wait3A = arith.constant 0 : i32
      %dma_wait3A_53 = tpu.memref_slice %arg11[%add3A_1, %dma_wait3A] : memref<10240x64xf32, #tpu.memory_space<vmem_shared>> -> memref<128x64xf32, #tpu.memory_space<vmem_shared>>
      %dma_wait3A_54 = arith.constant 0 : i32
      %dma_wait3A_55 = tpu.memref_slice %arg11[%add3A_1, %dma_wait3A_54] : memref<10240x64xf32, #tpu.memory_space<vmem_shared>> -> memref<128x64xf32, #tpu.memory_space<vmem_shared>>
      tpu.wait_dma2 semaphore(%run_scoped3A : memref<!tpu.dma_semaphore, #tpu.memory_space<semaphore_mem>>) src(%arg9 : memref<128x64xf32, #tpu.memory_space<vmem>>) dst(%dma_wait3A_55 : memref<128x64xf32, #tpu.memory_space<vmem_shared>>)
      tpu.yield
    }) : () -> ()
    %mul3A_2 = arith.constant 640 : i32
    %mul3A_3 = arith.muli %arg1, %mul3A_2 : i32
    %add3A_4 = arith.constant 128 : i32
    %add3A_5 = arith.addi %mul3A_3, %add3A_4 : i32
    "tpu.region"() ({
      %run_scoped3A = tpu.sem_alloc : memref<!tpu.dma_semaphore, #tpu.memory_space<semaphore_mem>>
      %dma_start3A_49 = arith.constant 0 : i32
      %dma_start3A_50 = tpu.memref_slice %arg11[%add3A_5, %dma_start3A_49] : memref<10240x64xf32, #tpu.memory_space<vmem_shared>> -> memref<128x64xf32, #tpu.memory_space<vmem_shared>>
      %dma_start3A_51 = arith.constant 0 : i32
      %dma_start3A_52 = tpu.memref_slice %arg11[%add3A_5, %dma_start3A_51] : memref<10240x64xf32, #tpu.memory_space<vmem_shared>> -> memref<128x64xf32, #tpu.memory_space<vmem_shared>>
      tpu.enqueue_dma source(%arg9 : memref<128x64xf32, #tpu.memory_space<vmem>>) target(%dma_start3A_52 : memref<128x64xf32, #tpu.memory_space<vmem_shared>>) target_semaphore(%run_scoped3A : memref<!tpu.dma_semaphore, #tpu.memory_space<semaphore_mem>>)
      %dma_wait3A = arith.constant 0 : i32
      %dma_wait3A_53 = tpu.memref_slice %arg11[%add3A_5, %dma_wait3A] : memref<10240x64xf32, #tpu.memory_space<vmem_shared>> -> memref<128x64xf32, #tpu.memory_space<vmem_shared>>
      %dma_wait3A_54 = arith.constant 0 : i32
      %dma_wait3A_55 = tpu.memref_slice %arg11[%add3A_5, %dma_wait3A_54] : memref<10240x64xf32, #tpu.memory_space<vmem_shared>> -> memref<128x64xf32, #tpu.memory_space<vmem_shared>>
      tpu.wait_dma2 semaphore(%run_scoped3A : memref<!tpu.dma_semaphore, #tpu.memory_space<semaphore_mem>>) src(%arg9 : memref<128x64xf32, #tpu.memory_space<vmem>>) dst(%dma_wait3A_55 : memref<128x64xf32, #tpu.memory_space<vmem_shared>>)
      tpu.yield
    }) : () -> ()
    %mul3A_6 = arith.constant 640 : i32
    %mul3A_7 = arith.muli %arg1, %mul3A_6 : i32
    %add3A_8 = arith.constant 256 : i32
    %add3A_9 = arith.addi %mul3A_7, %add3A_8 : i32
    "tpu.region"() ({
      %run_scoped3A = tpu.sem_alloc : memref<!tpu.dma_semaphore, #tpu.memory_space<semaphore_mem>>
      %dma_start3A_49 = arith.constant 0 : i32
      %dma_start3A_50 = tpu.memref_slice %arg11[%add3A_9, %dma_start3A_49] : memref<10240x64xf32, #tpu.memory_space<vmem_shared>> -> memref<128x64xf32, #tpu.memory_space<vmem_shared>>
      %dma_start3A_51 = arith.constant 0 : i32
      %dma_start3A_52 = tpu.memref_slice %arg11[%add3A_9, %dma_start3A_51] : memref<10240x64xf32, #tpu.memory_space<vmem_shared>> -> memref<128x64xf32, #tpu.memory_space<vmem_shared>>
      tpu.enqueue_dma source(%arg9 : memref<128x64xf32, #tpu.memory_space<vmem>>) target(%dma_start3A_52 : memref<128x64xf32, #tpu.memory_space<vmem_shared>>) target_semaphore(%run_scoped3A : memref<!tpu.dma_semaphore, #tpu.memory_space<semaphore_mem>>)
      %dma_wait3A = arith.constant 0 : i32
      %dma_wait3A_53 = tpu.memref_slice %arg11[%add3A_9, %dma_wait3A] : memref<10240x64xf32, #tpu.memory_space<vmem_shared>> -> memref<128x64xf32, #tpu.memory_space<vmem_shared>>
      %dma_wait3A_54 = arith.constant 0 : i32
      %dma_wait3A_55 = tpu.memref_slice %arg11[%add3A_9, %dma_wait3A_54] : memref<10240x64xf32, #tpu.memory_space<vmem_shared>> -> memref<128x64xf32, #tpu.memory_space<vmem_shared>>
      tpu.wait_dma2 semaphore(%run_scoped3A : memref<!tpu.dma_semaphore, #tpu.memory_space<semaphore_mem>>) src(%arg9 : memref<128x64xf32, #tpu.memory_space<vmem>>) dst(%dma_wait3A_55 : memref<128x64xf32, #tpu.memory_space<vmem_shared>>)
      tpu.yield
    }) : () -> ()
    %mul3A_10 = arith.constant 640 : i32
    %mul3A_11 = arith.muli %arg1, %mul3A_10 : i32
    %add3A_12 = arith.constant 384 : i32
    %add3A_13 = arith.addi %mul3A_11, %add3A_12 : i32
    "tpu.region"() ({
      %run_scoped3A = tpu.sem_alloc : memref<!tpu.dma_semaphore, #tpu.memory_space<semaphore_mem>>
      %dma_start3A_49 = arith.constant 0 : i32
      %dma_start3A_50 = tpu.memref_slice %arg11[%add3A_13, %dma_start3A_49] : memref<10240x64xf32, #tpu.memory_space<vmem_shared>> -> memref<128x64xf32, #tpu.memory_space<vmem_shared>>
      %dma_start3A_51 = arith.constant 0 : i32
      %dma_start3A_52 = tpu.memref_slice %arg11[%add3A_13, %dma_start3A_51] : memref<10240x64xf32, #tpu.memory_space<vmem_shared>> -> memref<128x64xf32, #tpu.memory_space<vmem_shared>>
      tpu.enqueue_dma source(%arg9 : memref<128x64xf32, #tpu.memory_space<vmem>>) target(%dma_start3A_52 : memref<128x64xf32, #tpu.memory_space<vmem_shared>>) target_semaphore(%run_scoped3A : memref<!tpu.dma_semaphore, #tpu.memory_space<semaphore_mem>>)
      %dma_wait3A = arith.constant 0 : i32
      %dma_wait3A_53 = tpu.memref_slice %arg11[%add3A_13, %dma_wait3A] : memref<10240x64xf32, #tpu.memory_space<vmem_shared>> -> memref<128x64xf32, #tpu.memory_space<vmem_shared>>
      %dma_wait3A_54 = arith.constant 0 : i32
      %dma_wait3A_55 = tpu.memref_slice %arg11[%add3A_13, %dma_wait3A_54] : memref<10240x64xf32, #tpu.memory_space<vmem_shared>> -> memref<128x64xf32, #tpu.memory_space<vmem_shared>>
      tpu.wait_dma2 semaphore(%run_scoped3A : memref<!tpu.dma_semaphore, #tpu.memory_space<semaphore_mem>>) src(%arg9 : memref<128x64xf32, #tpu.memory_space<vmem>>) dst(%dma_wait3A_55 : memref<128x64xf32, #tpu.memory_space<vmem_shared>>)
      tpu.yield
    }) : () -> ()
    %mul3A_14 = arith.constant 640 : i32
    %mul3A_15 = arith.muli %arg1, %mul3A_14 : i32
    %add3A_16 = arith.constant 512 : i32
    %add3A_17 = arith.addi %mul3A_15, %add3A_16 : i32
    "tpu.region"() ({
      %run_scoped3A = tpu.sem_alloc : memref<!tpu.dma_semaphore, #tpu.memory_space<semaphore_mem>>
      %dma_start3A_49 = arith.constant 0 : i32
      %dma_start3A_50 = tpu.memref_slice %arg11[%add3A_17, %dma_start3A_49] : memref<10240x64xf32, #tpu.memory_space<vmem_shared>> -> memref<128x64xf32, #tpu.memory_space<vmem_shared>>
      %dma_start3A_51 = arith.constant 0 : i32
      %dma_start3A_52 = tpu.memref_slice %arg11[%add3A_17, %dma_start3A_51] : memref<10240x64xf32, #tpu.memory_space<vmem_shared>> -> memref<128x64xf32, #tpu.memory_space<vmem_shared>>
      tpu.enqueue_dma source(%arg9 : memref<128x64xf32, #tpu.memory_space<vmem>>) target(%dma_start3A_52 : memref<128x64xf32, #tpu.memory_space<vmem_shared>>) target_semaphore(%run_scoped3A : memref<!tpu.dma_semaphore, #tpu.memory_space<semaphore_mem>>)
      %dma_wait3A = arith.constant 0 : i32
      %dma_wait3A_53 = tpu.memref_slice %arg11[%add3A_17, %dma_wait3A] : memref<10240x64xf32, #tpu.memory_space<vmem_shared>> -> memref<128x64xf32, #tpu.memory_space<vmem_shared>>
      %dma_wait3A_54 = arith.constant 0 : i32
      %dma_wait3A_55 = tpu.memref_slice %arg11[%add3A_17, %dma_wait3A_54] : memref<10240x64xf32, #tpu.memory_space<vmem_shared>> -> memref<128x64xf32, #tpu.memory_space<vmem_shared>>
      tpu.wait_dma2 semaphore(%run_scoped3A : memref<!tpu.dma_semaphore, #tpu.memory_space<semaphore_mem>>) src(%arg9 : memref<128x64xf32, #tpu.memory_space<vmem>>) dst(%dma_wait3A_55 : memref<128x64xf32, #tpu.memory_space<vmem_shared>>)
      tpu.yield
    }) : () -> ()
    %barrier3A = arith.constant 0 : index
    tpu.barrier barrier_id(%barrier3A)
    %dma_start3A = arith.constant 0 : i32
    %dma_start3A_18 = arith.constant 0 : i32
    %dma_start3A_19 = tpu.memref_slice %arg7[%dma_start3A, %dma_start3A_18] : memref<160x128xi32, #tpu.memory_space<vmem>> -> memref<1x128xi32, #tpu.memory_space<vmem>>
    %dma_start3A_20 = tpu.memref_squeeze %dma_start3A_19 : memref<1x128xi32, #tpu.memory_space<vmem>> -> memref<128xi32, #tpu.memory_space<vmem>>
    %dma_start3A_21 = arith.constant 0 : i32
    %dma_start3A_22 = arith.constant 0 : i32
    %dma_start3A_23 = tpu.memref_slice %arg2[%arg0, %dma_start3A_21, %dma_start3A_22] : memref<2x10240x64xf32, #tpu.memory_space<hbm>> -> memref<1x10240x64xf32, #tpu.memory_space<hbm>>
    %dma_start3A_24 = tpu.memref_squeeze %dma_start3A_23 : memref<1x10240x64xf32, #tpu.memory_space<hbm>> -> memref<10240x64xf32, #tpu.memory_space<hbm>>
    %dma_start3A_25 = arith.constant 0 : i32
    %dma_start3A_26 = arith.constant 0 : i32
    %dma_start3A_27 = tpu.memref_slice %dma_start3A_24[%dma_start3A_25, %dma_start3A_26] : memref<10240x64xf32, #tpu.memory_space<hbm>> -> memref<10240x64xf32, #tpu.memory_space<hbm>>
    tpu.enqueue_indirect_dma source(%dma_start3A_27 : memref<10240x64xf32, #tpu.memory_space<hbm>>) target(%arg9 : memref<128x64xf32, #tpu.memory_space<vmem>>) offsets(%dma_start3A_20 : memref<128xi32, #tpu.memory_space<vmem>>) semaphore(%arg12 : memref<!tpu.dma_semaphore, #tpu.memory_space<semaphore_mem>>)
    %dma_start3A_28 = arith.constant 1 : i32
    %dma_start3A_29 = arith.constant 0 : i32
    %dma_start3A_30 = tpu.memref_slice %arg7[%dma_start3A_28, %dma_start3A_29] : memref<160x128xi32, #tpu.memory_space<vmem>> -> memref<1x128xi32, #tpu.memory_space<vmem>>
    %dma_start3A_31 = tpu.memref_squeeze %dma_start3A_30 : memref<1x128xi32, #tpu.memory_space<vmem>> -> memref<128xi32, #tpu.memory_space<vmem>>
    %dma_start3A_32 = arith.constant 0 : i32
    %dma_start3A_33 = arith.constant 0 : i32
    %dma_start3A_34 = tpu.memref_slice %arg2[%arg0, %dma_start3A_32, %dma_start3A_33] : memref<2x10240x64xf32, #tpu.memory_space<hbm>> -> memref<1x10240x64xf32, #tpu.memory_space<hbm>>
    %dma_start3A_35 = tpu.memref_squeeze %dma_start3A_34 : memref<1x10240x64xf32, #tpu.memory_space<hbm>> -> memref<10240x64xf32, #tpu.memory_space<hbm>>
    %dma_start3A_36 = arith.constant 0 : i32
    %dma_start3A_37 = arith.constant 0 : i32
    %dma_start3A_38 = tpu.memref_slice %dma_start3A_35[%dma_start3A_36, %dma_start3A_37] : memref<10240x64xf32, #tpu.memory_space<hbm>> -> memref<10240x64xf32, #tpu.memory_space<hbm>>
    tpu.enqueue_indirect_dma source(%dma_start3A_38 : memref<10240x64xf32, #tpu.memory_space<hbm>>) target(%arg10 : memref<128x64xf32, #tpu.memory_space<vmem>>) offsets(%dma_start3A_31 : memref<128xi32, #tpu.memory_space<vmem>>) semaphore(%arg13 : memref<!tpu.dma_semaphore, #tpu.memory_space<semaphore_mem>>)
    %scan3A = arith.constant 0 : i32
    %scan3A_39 = arith.constant 0 : i32
    %scan3A_40 = arith.constant 80 : i32
    %scan3A_41 = arith.addi %scan3A_39, %scan3A_40 : i32
    %scan3A_42 = arith.constant 1 : i32
    scf.for %scan3A_49 = %scan3A_39 to %scan3A_41 step %scan3A_42  : i32 {
      %mul3A_50 = arith.constant 2 : i32
      %mul3A_51 = arith.muli %mul3A_50, %scan3A_49 : i32
      %dma_wait3A = arith.constant 0 : i32
      %dma_wait3A_52 = tpu.memref_slice %arg7[%mul3A_51, %dma_wait3A] : memref<160x128xi32, #tpu.memory_space<vmem>> -> memref<1x128xi32, #tpu.memory_space<vmem>>
      %dma_wait3A_53 = tpu.memref_squeeze %dma_wait3A_52 : memref<1x128xi32, #tpu.memory_space<vmem>> -> memref<128xi32, #tpu.memory_space<vmem>>
      %dma_wait3A_54 = arith.constant 0 : i32
      %dma_wait3A_55 = arith.constant 0 : i32
      %dma_wait3A_56 = tpu.memref_slice %arg2[%arg0, %dma_wait3A_54, %dma_wait3A_55] : memref<2x10240x64xf32, #tpu.memory_space<hbm>> -> memref<1x10240x64xf32, #tpu.memory_space<hbm>>
      %dma_wait3A_57 = tpu.memref_squeeze %dma_wait3A_56 : memref<1x10240x64xf32, #tpu.memory_space<hbm>> -> memref<10240x64xf32, #tpu.memory_space<hbm>>
      %dma_wait3A_58 = arith.constant 0 : i32
      %dma_wait3A_59 = arith.constant 0 : i32
      %dma_wait3A_60 = tpu.memref_slice %dma_wait3A_57[%dma_wait3A_58, %dma_wait3A_59] : memref<10240x64xf32, #tpu.memory_space<hbm>> -> memref<10240x64xf32, #tpu.memory_space<hbm>>
      tpu.wait_indirect_dma semaphore(%arg12 : memref<!tpu.dma_semaphore, #tpu.memory_space<semaphore_mem>>) src(%dma_wait3A_60 : memref<10240x64xf32, #tpu.memory_space<hbm>>) dst(%arg9 : memref<128x64xf32, #tpu.memory_space<vmem>>)
      "tpu.region"() ({
        %run_scoped3A = tpu.sem_alloc : memref<!tpu.dma_semaphore, #tpu.memory_space<semaphore_mem>>
        %dma_start3A_86 = arith.constant 0 : i32
        %dma_start3A_87 = tpu.memref_slice %arg8[%mul3A_51, %dma_start3A_86] : memref<160x128xi32, #tpu.memory_space<vmem>> -> memref<1x128xi32, #tpu.memory_space<vmem>>
        %dma_start3A_88 = tpu.memref_squeeze %dma_start3A_87 : memref<1x128xi32, #tpu.memory_space<vmem>> -> memref<128xi32, #tpu.memory_space<vmem>>
        %dma_start3A_89 = arith.constant 0 : i32
        %dma_start3A_90 = arith.constant 0 : i32
        %dma_start3A_91 = tpu.memref_slice %arg11[%dma_start3A_89, %dma_start3A_90] : memref<10240x64xf32, #tpu.memory_space<vmem_shared>> -> memref<10240x64xf32, #tpu.memory_space<vmem_shared>>
        tpu.enqueue_indirect_dma source(%arg9 : memref<128x64xf32, #tpu.memory_space<vmem>>) target(%dma_start3A_91 : memref<10240x64xf32, #tpu.memory_space<vmem_shared>>) offsets(%dma_start3A_88 : memref<128xi32, #tpu.memory_space<vmem>>) semaphore(%run_scoped3A : memref<!tpu.dma_semaphore, #tpu.memory_space<semaphore_mem>>) {add = true}
        %dma_wait3A_92 = arith.constant 0 : i32
        %dma_wait3A_93 = tpu.memref_slice %arg8[%mul3A_51, %dma_wait3A_92] : memref<160x128xi32, #tpu.memory_space<vmem>> -> memref<1x128xi32, #tpu.memory_space<vmem>>
        %dma_wait3A_94 = tpu.memref_squeeze %dma_wait3A_93 : memref<1x128xi32, #tpu.memory_space<vmem>> -> memref<128xi32, #tpu.memory_space<vmem>>
        %dma_wait3A_95 = arith.constant 0 : i32
        %dma_wait3A_96 = arith.constant 0 : i32
        %dma_wait3A_97 = tpu.memref_slice %arg11[%dma_wait3A_95, %dma_wait3A_96] : memref<10240x64xf32, #tpu.memory_space<vmem_shared>> -> memref<10240x64xf32, #tpu.memory_space<vmem_shared>>
        tpu.wait_indirect_dma semaphore(%run_scoped3A : memref<!tpu.dma_semaphore, #tpu.memory_space<semaphore_mem>>) src(%arg9 : memref<128x64xf32, #tpu.memory_space<vmem>>) dst(%dma_wait3A_97 : memref<10240x64xf32, #tpu.memory_space<vmem_shared>>)
        tpu.yield
      }) : () -> ()
      %add3A_61 = arith.constant 2 : i32
      %add3A_62 = arith.addi %mul3A_51, %add3A_61 : i32
      %lt3A = arith.constant 160 : i32
      %lt3A_63 = arith.cmpi slt, %add3A_62, %lt3A : i32
      %convert_element_type3A = arith.extui %lt3A_63 : i1 to i32
      %cond3A = arith.constant 0 : i32
      %cond3A_64 = arith.cmpi ne, %convert_element_type3A, %cond3A : i32
      scf.if %cond3A_64 {
        %add3A_86 = arith.constant 2 : i32
        %add3A_87 = arith.addi %mul3A_51, %add3A_86 : i32
        %dma_start3A_88 = arith.constant 0 : i32
        %dma_start3A_89 = tpu.memref_slice %arg7[%add3A_87, %dma_start3A_88] : memref<160x128xi32, #tpu.memory_space<vmem>> -> memref<1x128xi32, #tpu.memory_space<vmem>>
        %dma_start3A_90 = tpu.memref_squeeze %dma_start3A_89 : memref<1x128xi32, #tpu.memory_space<vmem>> -> memref<128xi32, #tpu.memory_space<vmem>>
        %dma_start3A_91 = arith.constant 0 : i32
        %dma_start3A_92 = arith.constant 0 : i32
        %dma_start3A_93 = tpu.memref_slice %arg2[%arg0, %dma_start3A_91, %dma_start3A_92] : memref<2x10240x64xf32, #tpu.memory_space<hbm>> -> memref<1x10240x64xf32, #tpu.memory_space<hbm>>
        %dma_start3A_94 = tpu.memref_squeeze %dma_start3A_93 : memref<1x10240x64xf32, #tpu.memory_space<hbm>> -> memref<10240x64xf32, #tpu.memory_space<hbm>>
        %dma_start3A_95 = arith.constant 0 : i32
        %dma_start3A_96 = arith.constant 0 : i32
        %dma_start3A_97 = tpu.memref_slice %dma_start3A_94[%dma_start3A_95, %dma_start3A_96] : memref<10240x64xf32, #tpu.memory_space<hbm>> -> memref<10240x64xf32, #tpu.memory_space<hbm>>
        tpu.enqueue_indirect_dma source(%dma_start3A_97 : memref<10240x64xf32, #tpu.memory_space<hbm>>) target(%arg9 : memref<128x64xf32, #tpu.memory_space<vmem>>) offsets(%dma_start3A_90 : memref<128xi32, #tpu.memory_space<vmem>>) semaphore(%arg12 : memref<!tpu.dma_semaphore, #tpu.memory_space<semaphore_mem>>)
      } else {
      }
      %add3A_65 = arith.constant 1 : i32
      %add3A_66 = arith.addi %mul3A_51, %add3A_65 : i32
      %dma_wait3A_67 = arith.constant 0 : i32
      %dma_wait3A_68 = tpu.memref_slice %arg7[%add3A_66, %dma_wait3A_67] : memref<160x128xi32, #tpu.memory_space<vmem>> -> memref<1x128xi32, #tpu.memory_space<vmem>>
      %dma_wait3A_69 = tpu.memref_squeeze %dma_wait3A_68 : memref<1x128xi32, #tpu.memory_space<vmem>> -> memref<128xi32, #tpu.memory_space<vmem>>
      %dma_wait3A_70 = arith.constant 0 : i32
      %dma_wait3A_71 = arith.constant 0 : i32
      %dma_wait3A_72 = tpu.memref_slice %arg2[%arg0, %dma_wait3A_70, %dma_wait3A_71] : memref<2x10240x64xf32, #tpu.memory_space<hbm>> -> memref<1x10240x64xf32, #tpu.memory_space<hbm>>
      %dma_wait3A_73 = tpu.memref_squeeze %dma_wait3A_72 : memref<1x10240x64xf32, #tpu.memory_space<hbm>> -> memref<10240x64xf32, #tpu.memory_space<hbm>>
      %dma_wait3A_74 = arith.constant 0 : i32
      %dma_wait3A_75 = arith.constant 0 : i32
      %dma_wait3A_76 = tpu.memref_slice %dma_wait3A_73[%dma_wait3A_74, %dma_wait3A_75] : memref<10240x64xf32, #tpu.memory_space<hbm>> -> memref<10240x64xf32, #tpu.memory_space<hbm>>
      tpu.wait_indirect_dma semaphore(%arg13 : memref<!tpu.dma_semaphore, #tpu.memory_space<semaphore_mem>>) src(%dma_wait3A_76 : memref<10240x64xf32, #tpu.memory_space<hbm>>) dst(%arg10 : memref<128x64xf32, #tpu.memory_space<vmem>>)
      %add3A_77 = arith.constant 1 : i32
      %add3A_78 = arith.addi %mul3A_51, %add3A_77 : i32
      "tpu.region"() ({
        %run_scoped3A = tpu.sem_alloc : memref<!tpu.dma_semaphore, #tpu.memory_space<semaphore_mem>>
        %dma_start3A_86 = arith.constant 0 : i32
        %dma_start3A_87 = tpu.memref_slice %arg8[%add3A_78, %dma_start3A_86] : memref<160x128xi32, #tpu.memory_space<vmem>> -> memref<1x128xi32, #tpu.memory_space<vmem>>
        %dma_start3A_88 = tpu.memref_squeeze %dma_start3A_87 : memref<1x128xi32, #tpu.memory_space<vmem>> -> memref<128xi32, #tpu.memory_space<vmem>>
        %dma_start3A_89 = arith.constant 0 : i32
        %dma_start3A_90 = arith.constant 0 : i32
        %dma_start3A_91 = tpu.memref_slice %arg11[%dma_start3A_89, %dma_start3A_90] : memref<10240x64xf32, #tpu.memory_space<vmem_shared>> -> memref<10240x64xf32, #tpu.memory_space<vmem_shared>>
        tpu.enqueue_indirect_dma source(%arg10 : memref<128x64xf32, #tpu.memory_space<vmem>>) target(%dma_start3A_91 : memref<10240x64xf32, #tpu.memory_space<vmem_shared>>) offsets(%dma_start3A_88 : memref<128xi32, #tpu.memory_space<vmem>>) semaphore(%run_scoped3A : memref<!tpu.dma_semaphore, #tpu.memory_space<semaphore_mem>>) {add = true}
        %dma_wait3A_92 = arith.constant 0 : i32
        %dma_wait3A_93 = tpu.memref_slice %arg8[%add3A_78, %dma_wait3A_92] : memref<160x128xi32, #tpu.memory_space<vmem>> -> memref<1x128xi32, #tpu.memory_space<vmem>>
        %dma_wait3A_94 = tpu.memref_squeeze %dma_wait3A_93 : memref<1x128xi32, #tpu.memory_space<vmem>> -> memref<128xi32, #tpu.memory_space<vmem>>
        %dma_wait3A_95 = arith.constant 0 : i32
        %dma_wait3A_96 = arith.constant 0 : i32
        %dma_wait3A_97 = tpu.memref_slice %arg11[%dma_wait3A_95, %dma_wait3A_96] : memref<10240x64xf32, #tpu.memory_space<vmem_shared>> -> memref<10240x64xf32, #tpu.memory_space<vmem_shared>>
        tpu.wait_indirect_dma semaphore(%run_scoped3A : memref<!tpu.dma_semaphore, #tpu.memory_space<semaphore_mem>>) src(%arg10 : memref<128x64xf32, #tpu.memory_space<vmem>>) dst(%dma_wait3A_97 : memref<10240x64xf32, #tpu.memory_space<vmem_shared>>)
        tpu.yield
      }) : () -> ()
      %add3A_79 = arith.constant 3 : i32
      %add3A_80 = arith.addi %mul3A_51, %add3A_79 : i32
      %lt3A_81 = arith.constant 160 : i32
      %lt3A_82 = arith.cmpi slt, %add3A_80, %lt3A_81 : i32
      %convert_element_type3A_83 = arith.extui %lt3A_82 : i1 to i32
      %cond3A_84 = arith.constant 0 : i32
      %cond3A_85 = arith.cmpi ne, %convert_element_type3A_83, %cond3A_84 : i32
      scf.if %cond3A_85 {
        %add3A_86 = arith.constant 3 : i32
        %add3A_87 = arith.addi %mul3A_51, %add3A_86 : i32
        %dma_start3A_88 = arith.constant 0 : i32
        %dma_start3A_89 = tpu.memref_slice %arg7[%add3A_87, %dma_start3A_88] : memref<160x128xi32, #tpu.memory_space<vmem>> -> memref<1x128xi32, #tpu.memory_space<vmem>>
        %dma_start3A_90 = tpu.memref_squeeze %dma_start3A_89 : memref<1x128xi32, #tpu.memory_space<vmem>> -> memref<128xi32, #tpu.memory_space<vmem>>
        %dma_start3A_91 = arith.constant 0 : i32
        %dma_start3A_92 = arith.constant 0 : i32
        %dma_start3A_93 = tpu.memref_slice %arg2[%arg0, %dma_start3A_91, %dma_start3A_92] : memref<2x10240x64xf32, #tpu.memory_space<hbm>> -> memref<1x10240x64xf32, #tpu.memory_space<hbm>>
        %dma_start3A_94 = tpu.memref_squeeze %dma_start3A_93 : memref<1x10240x64xf32, #tpu.memory_space<hbm>> -> memref<10240x64xf32, #tpu.memory_space<hbm>>
        %dma_start3A_95 = arith.constant 0 : i32
        %dma_start3A_96 = arith.constant 0 : i32
        %dma_start3A_97 = tpu.memref_slice %dma_start3A_94[%dma_start3A_95, %dma_start3A_96] : memref<10240x64xf32, #tpu.memory_space<hbm>> -> memref<10240x64xf32, #tpu.memory_space<hbm>>
        tpu.enqueue_indirect_dma source(%dma_start3A_97 : memref<10240x64xf32, #tpu.memory_space<hbm>>) target(%arg10 : memref<128x64xf32, #tpu.memory_space<vmem>>) offsets(%dma_start3A_90 : memref<128xi32, #tpu.memory_space<vmem>>) semaphore(%arg13 : memref<!tpu.dma_semaphore, #tpu.memory_space<semaphore_mem>>)
      } else {
      }
    }
    %scan3A_43 = arith.constant 80 : i32
    %barrier3A_44 = arith.constant 0 : index
    tpu.barrier barrier_id(%barrier3A_44)
    %mul3A_45 = arith.constant 640 : i32
    %mul3A_46 = arith.muli %arg1, %mul3A_45 : i32
    %mul3A_47 = arith.constant 640 : i32
    %mul3A_48 = arith.muli %arg1, %mul3A_47 : i32
    "tpu.region"() ({
      %run_scoped3A = tpu.sem_alloc : memref<!tpu.dma_semaphore, #tpu.memory_space<semaphore_mem>>
      %dma_start3A_49 = arith.constant 0 : i32
      %dma_start3A_50 = arith.constant 0 : i32
      %dma_start3A_51 = tpu.memref_slice %arg6[%arg0, %dma_start3A_49, %dma_start3A_50] : memref<2x10240x64xf32, #tpu.memory_space<hbm>> -> memref<1x10240x64xf32, #tpu.memory_space<hbm>>
      %dma_start3A_52 = tpu.memref_squeeze %dma_start3A_51 : memref<1x10240x64xf32, #tpu.memory_space<hbm>> -> memref<10240x64xf32, #tpu.memory_space<hbm>>
      %dma_start3A_53 = arith.constant 0 : i32
      %dma_start3A_54 = tpu.memref_slice %dma_start3A_52[%mul3A_48, %dma_start3A_53] : memref<10240x64xf32, #tpu.memory_space<hbm>> -> memref<640x64xf32, #tpu.memory_space<hbm>>
      %dma_start3A_55 = arith.constant 0 : i32
      %dma_start3A_56 = tpu.memref_slice %arg11[%mul3A_46, %dma_start3A_55] : memref<10240x64xf32, #tpu.memory_space<vmem_shared>> -> memref<640x64xf32, #tpu.memory_space<vmem_shared>>
      tpu.enqueue_dma source(%dma_start3A_56 : memref<640x64xf32, #tpu.memory_space<vmem_shared>>) target(%dma_start3A_54 : memref<640x64xf32, #tpu.memory_space<hbm>>) target_semaphore(%run_scoped3A : memref<!tpu.dma_semaphore, #tpu.memory_space<semaphore_mem>>)
      %dma_wait3A = arith.constant 0 : i32
      %dma_wait3A_57 = arith.constant 0 : i32
      %dma_wait3A_58 = tpu.memref_slice %arg6[%arg0, %dma_wait3A, %dma_wait3A_57] : memref<2x10240x64xf32, #tpu.memory_space<hbm>> -> memref<1x10240x64xf32, #tpu.memory_space<hbm>>
      %dma_wait3A_59 = tpu.memref_squeeze %dma_wait3A_58 : memref<1x10240x64xf32, #tpu.memory_space<hbm>> -> memref<10240x64xf32, #tpu.memory_space<hbm>>
      %dma_wait3A_60 = arith.constant 0 : i32
      %dma_wait3A_61 = tpu.memref_slice %dma_wait3A_59[%mul3A_48, %dma_wait3A_60] : memref<10240x64xf32, #tpu.memory_space<hbm>> -> memref<640x64xf32, #tpu.memory_space<hbm>>
      %dma_wait3A_62 = arith.constant 0 : i32
      %dma_wait3A_63 = tpu.memref_slice %arg11[%mul3A_46, %dma_wait3A_62] : memref<10240x64xf32, #tpu.memory_space<vmem_shared>> -> memref<640x64xf32, #tpu.memory_space<vmem_shared>>
      tpu.wait_dma2 semaphore(%run_scoped3A : memref<!tpu.dma_semaphore, #tpu.memory_space<semaphore_mem>>) src(%dma_wait3A_63 : memref<640x64xf32, #tpu.memory_space<vmem_shared>>) dst(%dma_wait3A_61 : memref<640x64xf32, #tpu.memory_space<hbm>>)
      tpu.yield
    }) : () -> ()
    return
  }
}

#map = affine_map<(d0, d1) -> (0, 0, 0)>
#map1 = affine_map<(d0, d1) -> (0, 0)>
module attributes {stable_mosaic.version = 14 : i64} {
  func.func @k(%arg0: i32, %arg1: i32, %arg2: memref<32x80x128xi32, #tpu.memory_space<hbm>>, %arg3: memref<128x64xf32, #tpu.memory_space<hbm>>, %arg4: memref<128x64xf32, #tpu.memory_space<hbm>>, %arg5: memref<2x10240x64xf32, #tpu.memory_space<hbm>>, %arg6: memref<80x128xi32, #tpu.memory_space<vmem>>, %arg7: memref<128x64xf32, #tpu.memory_space<vmem>>, %arg8: memref<10240x64xf32, #tpu.memory_space<vmem_shared>>) attributes {dimension_semantics = [#tpu.dimension_semantics<core_parallel>, #tpu.dimension_semantics<subcore_parallel>], iteration_bounds = array<i64: 2, 16>, scalar_prefetch = 0 : i64, scratch_operands = 3 : i64, tpu.core_type = #tpu.core_type<sc_vector_subcore>, window_params = [{transform_indices = #map}, {transform_indices = #map1}, {transform_indices = #map1}, {transform_indices = #map}]} {
    %mul3A = arith.constant 16 : i32
    %mul3A_0 = arith.muli %arg0, %mul3A : i32
    %add3A = arith.addi %mul3A_0, %arg1 : i32
    "tpu.region"() ({
      %run_scoped3A = tpu.sem_alloc : memref<!tpu.dma_semaphore, #tpu.memory_space<semaphore_mem>>
      %dma_start3A = arith.constant 0 : i32
      %dma_start3A_31 = arith.constant 0 : i32
      %dma_start3A_32 = tpu.memref_slice %arg2[%add3A, %dma_start3A, %dma_start3A_31] : memref<32x80x128xi32, #tpu.memory_space<hbm>> -> memref<1x80x128xi32, #tpu.memory_space<hbm>>
      %dma_start3A_33 = tpu.memref_squeeze %dma_start3A_32 : memref<1x80x128xi32, #tpu.memory_space<hbm>> -> memref<80x128xi32, #tpu.memory_space<hbm>>
      %dma_start3A_34 = arith.constant 0 : i32
      %dma_start3A_35 = arith.constant 0 : i32
      %dma_start3A_36 = tpu.memref_slice %arg2[%add3A, %dma_start3A_34, %dma_start3A_35] : memref<32x80x128xi32, #tpu.memory_space<hbm>> -> memref<1x80x128xi32, #tpu.memory_space<hbm>>
      %dma_start3A_37 = tpu.memref_squeeze %dma_start3A_36 : memref<1x80x128xi32, #tpu.memory_space<hbm>> -> memref<80x128xi32, #tpu.memory_space<hbm>>
      tpu.enqueue_dma source(%dma_start3A_37 : memref<80x128xi32, #tpu.memory_space<hbm>>) target(%arg6 : memref<80x128xi32, #tpu.memory_space<vmem>>) target_semaphore(%run_scoped3A : memref<!tpu.dma_semaphore, #tpu.memory_space<semaphore_mem>>)
      %dma_wait3A = arith.constant 0 : i32
      %dma_wait3A_38 = arith.constant 0 : i32
      %dma_wait3A_39 = tpu.memref_slice %arg2[%add3A, %dma_wait3A, %dma_wait3A_38] : memref<32x80x128xi32, #tpu.memory_space<hbm>> -> memref<1x80x128xi32, #tpu.memory_space<hbm>>
      %dma_wait3A_40 = tpu.memref_squeeze %dma_wait3A_39 : memref<1x80x128xi32, #tpu.memory_space<hbm>> -> memref<80x128xi32, #tpu.memory_space<hbm>>
      %dma_wait3A_41 = arith.constant 0 : i32
      %dma_wait3A_42 = arith.constant 0 : i32
      %dma_wait3A_43 = tpu.memref_slice %arg2[%add3A, %dma_wait3A_41, %dma_wait3A_42] : memref<32x80x128xi32, #tpu.memory_space<hbm>> -> memref<1x80x128xi32, #tpu.memory_space<hbm>>
      %dma_wait3A_44 = tpu.memref_squeeze %dma_wait3A_43 : memref<1x80x128xi32, #tpu.memory_space<hbm>> -> memref<80x128xi32, #tpu.memory_space<hbm>>
      tpu.wait_dma2 semaphore(%run_scoped3A : memref<!tpu.dma_semaphore, #tpu.memory_space<semaphore_mem>>) src(%dma_wait3A_44 : memref<80x128xi32, #tpu.memory_space<hbm>>) dst(%arg6 : memref<80x128xi32, #tpu.memory_space<vmem>>)
      tpu.yield
    }) : () -> ()
    "tpu.region"() ({
      %run_scoped3A = tpu.sem_alloc : memref<!tpu.dma_semaphore, #tpu.memory_space<semaphore_mem>>
      tpu.enqueue_dma source(%arg4 : memref<128x64xf32, #tpu.memory_space<hbm>>) target(%arg7 : memref<128x64xf32, #tpu.memory_space<vmem>>) target_semaphore(%run_scoped3A : memref<!tpu.dma_semaphore, #tpu.memory_space<semaphore_mem>>)
      tpu.wait_dma2 semaphore(%run_scoped3A : memref<!tpu.dma_semaphore, #tpu.memory_space<semaphore_mem>>) src(%arg4 : memref<128x64xf32, #tpu.memory_space<hbm>>) dst(%arg7 : memref<128x64xf32, #tpu.memory_space<vmem>>)
      tpu.yield
    }) : () -> ()
    %mul3A_1 = arith.constant 640 : i32
    %mul3A_2 = arith.muli %arg1, %mul3A_1 : i32
    %add3A_3 = arith.constant 0 : i32
    %add3A_4 = arith.addi %mul3A_2, %add3A_3 : i32
    "tpu.region"() ({
      %run_scoped3A = tpu.sem_alloc : memref<!tpu.dma_semaphore, #tpu.memory_space<semaphore_mem>>
      %dma_start3A = arith.constant 0 : i32
      %dma_start3A_31 = tpu.memref_slice %arg8[%add3A_4, %dma_start3A] : memref<10240x64xf32, #tpu.memory_space<vmem_shared>> -> memref<128x64xf32, #tpu.memory_space<vmem_shared>>
      %dma_start3A_32 = arith.constant 0 : i32
      %dma_start3A_33 = tpu.memref_slice %arg8[%add3A_4, %dma_start3A_32] : memref<10240x64xf32, #tpu.memory_space<vmem_shared>> -> memref<128x64xf32, #tpu.memory_space<vmem_shared>>
      tpu.enqueue_dma source(%arg7 : memref<128x64xf32, #tpu.memory_space<vmem>>) target(%dma_start3A_33 : memref<128x64xf32, #tpu.memory_space<vmem_shared>>) target_semaphore(%run_scoped3A : memref<!tpu.dma_semaphore, #tpu.memory_space<semaphore_mem>>)
      %dma_wait3A = arith.constant 0 : i32
      %dma_wait3A_34 = tpu.memref_slice %arg8[%add3A_4, %dma_wait3A] : memref<10240x64xf32, #tpu.memory_space<vmem_shared>> -> memref<128x64xf32, #tpu.memory_space<vmem_shared>>
      %dma_wait3A_35 = arith.constant 0 : i32
      %dma_wait3A_36 = tpu.memref_slice %arg8[%add3A_4, %dma_wait3A_35] : memref<10240x64xf32, #tpu.memory_space<vmem_shared>> -> memref<128x64xf32, #tpu.memory_space<vmem_shared>>
      tpu.wait_dma2 semaphore(%run_scoped3A : memref<!tpu.dma_semaphore, #tpu.memory_space<semaphore_mem>>) src(%arg7 : memref<128x64xf32, #tpu.memory_space<vmem>>) dst(%dma_wait3A_36 : memref<128x64xf32, #tpu.memory_space<vmem_shared>>)
      tpu.yield
    }) : () -> ()
    %mul3A_5 = arith.constant 640 : i32
    %mul3A_6 = arith.muli %arg1, %mul3A_5 : i32
    %add3A_7 = arith.constant 128 : i32
    %add3A_8 = arith.addi %mul3A_6, %add3A_7 : i32
    "tpu.region"() ({
      %run_scoped3A = tpu.sem_alloc : memref<!tpu.dma_semaphore, #tpu.memory_space<semaphore_mem>>
      %dma_start3A = arith.constant 0 : i32
      %dma_start3A_31 = tpu.memref_slice %arg8[%add3A_8, %dma_start3A] : memref<10240x64xf32, #tpu.memory_space<vmem_shared>> -> memref<128x64xf32, #tpu.memory_space<vmem_shared>>
      %dma_start3A_32 = arith.constant 0 : i32
      %dma_start3A_33 = tpu.memref_slice %arg8[%add3A_8, %dma_start3A_32] : memref<10240x64xf32, #tpu.memory_space<vmem_shared>> -> memref<128x64xf32, #tpu.memory_space<vmem_shared>>
      tpu.enqueue_dma source(%arg7 : memref<128x64xf32, #tpu.memory_space<vmem>>) target(%dma_start3A_33 : memref<128x64xf32, #tpu.memory_space<vmem_shared>>) target_semaphore(%run_scoped3A : memref<!tpu.dma_semaphore, #tpu.memory_space<semaphore_mem>>)
      %dma_wait3A = arith.constant 0 : i32
      %dma_wait3A_34 = tpu.memref_slice %arg8[%add3A_8, %dma_wait3A] : memref<10240x64xf32, #tpu.memory_space<vmem_shared>> -> memref<128x64xf32, #tpu.memory_space<vmem_shared>>
      %dma_wait3A_35 = arith.constant 0 : i32
      %dma_wait3A_36 = tpu.memref_slice %arg8[%add3A_8, %dma_wait3A_35] : memref<10240x64xf32, #tpu.memory_space<vmem_shared>> -> memref<128x64xf32, #tpu.memory_space<vmem_shared>>
      tpu.wait_dma2 semaphore(%run_scoped3A : memref<!tpu.dma_semaphore, #tpu.memory_space<semaphore_mem>>) src(%arg7 : memref<128x64xf32, #tpu.memory_space<vmem>>) dst(%dma_wait3A_36 : memref<128x64xf32, #tpu.memory_space<vmem_shared>>)
      tpu.yield
    }) : () -> ()
    %mul3A_9 = arith.constant 640 : i32
    %mul3A_10 = arith.muli %arg1, %mul3A_9 : i32
    %add3A_11 = arith.constant 256 : i32
    %add3A_12 = arith.addi %mul3A_10, %add3A_11 : i32
    "tpu.region"() ({
      %run_scoped3A = tpu.sem_alloc : memref<!tpu.dma_semaphore, #tpu.memory_space<semaphore_mem>>
      %dma_start3A = arith.constant 0 : i32
      %dma_start3A_31 = tpu.memref_slice %arg8[%add3A_12, %dma_start3A] : memref<10240x64xf32, #tpu.memory_space<vmem_shared>> -> memref<128x64xf32, #tpu.memory_space<vmem_shared>>
      %dma_start3A_32 = arith.constant 0 : i32
      %dma_start3A_33 = tpu.memref_slice %arg8[%add3A_12, %dma_start3A_32] : memref<10240x64xf32, #tpu.memory_space<vmem_shared>> -> memref<128x64xf32, #tpu.memory_space<vmem_shared>>
      tpu.enqueue_dma source(%arg7 : memref<128x64xf32, #tpu.memory_space<vmem>>) target(%dma_start3A_33 : memref<128x64xf32, #tpu.memory_space<vmem_shared>>) target_semaphore(%run_scoped3A : memref<!tpu.dma_semaphore, #tpu.memory_space<semaphore_mem>>)
      %dma_wait3A = arith.constant 0 : i32
      %dma_wait3A_34 = tpu.memref_slice %arg8[%add3A_12, %dma_wait3A] : memref<10240x64xf32, #tpu.memory_space<vmem_shared>> -> memref<128x64xf32, #tpu.memory_space<vmem_shared>>
      %dma_wait3A_35 = arith.constant 0 : i32
      %dma_wait3A_36 = tpu.memref_slice %arg8[%add3A_12, %dma_wait3A_35] : memref<10240x64xf32, #tpu.memory_space<vmem_shared>> -> memref<128x64xf32, #tpu.memory_space<vmem_shared>>
      tpu.wait_dma2 semaphore(%run_scoped3A : memref<!tpu.dma_semaphore, #tpu.memory_space<semaphore_mem>>) src(%arg7 : memref<128x64xf32, #tpu.memory_space<vmem>>) dst(%dma_wait3A_36 : memref<128x64xf32, #tpu.memory_space<vmem_shared>>)
      tpu.yield
    }) : () -> ()
    %mul3A_13 = arith.constant 640 : i32
    %mul3A_14 = arith.muli %arg1, %mul3A_13 : i32
    %add3A_15 = arith.constant 384 : i32
    %add3A_16 = arith.addi %mul3A_14, %add3A_15 : i32
    "tpu.region"() ({
      %run_scoped3A = tpu.sem_alloc : memref<!tpu.dma_semaphore, #tpu.memory_space<semaphore_mem>>
      %dma_start3A = arith.constant 0 : i32
      %dma_start3A_31 = tpu.memref_slice %arg8[%add3A_16, %dma_start3A] : memref<10240x64xf32, #tpu.memory_space<vmem_shared>> -> memref<128x64xf32, #tpu.memory_space<vmem_shared>>
      %dma_start3A_32 = arith.constant 0 : i32
      %dma_start3A_33 = tpu.memref_slice %arg8[%add3A_16, %dma_start3A_32] : memref<10240x64xf32, #tpu.memory_space<vmem_shared>> -> memref<128x64xf32, #tpu.memory_space<vmem_shared>>
      tpu.enqueue_dma source(%arg7 : memref<128x64xf32, #tpu.memory_space<vmem>>) target(%dma_start3A_33 : memref<128x64xf32, #tpu.memory_space<vmem_shared>>) target_semaphore(%run_scoped3A : memref<!tpu.dma_semaphore, #tpu.memory_space<semaphore_mem>>)
      %dma_wait3A = arith.constant 0 : i32
      %dma_wait3A_34 = tpu.memref_slice %arg8[%add3A_16, %dma_wait3A] : memref<10240x64xf32, #tpu.memory_space<vmem_shared>> -> memref<128x64xf32, #tpu.memory_space<vmem_shared>>
      %dma_wait3A_35 = arith.constant 0 : i32
      %dma_wait3A_36 = tpu.memref_slice %arg8[%add3A_16, %dma_wait3A_35] : memref<10240x64xf32, #tpu.memory_space<vmem_shared>> -> memref<128x64xf32, #tpu.memory_space<vmem_shared>>
      tpu.wait_dma2 semaphore(%run_scoped3A : memref<!tpu.dma_semaphore, #tpu.memory_space<semaphore_mem>>) src(%arg7 : memref<128x64xf32, #tpu.memory_space<vmem>>) dst(%dma_wait3A_36 : memref<128x64xf32, #tpu.memory_space<vmem_shared>>)
      tpu.yield
    }) : () -> ()
    %mul3A_17 = arith.constant 640 : i32
    %mul3A_18 = arith.muli %arg1, %mul3A_17 : i32
    %add3A_19 = arith.constant 512 : i32
    %add3A_20 = arith.addi %mul3A_18, %add3A_19 : i32
    "tpu.region"() ({
      %run_scoped3A = tpu.sem_alloc : memref<!tpu.dma_semaphore, #tpu.memory_space<semaphore_mem>>
      %dma_start3A = arith.constant 0 : i32
      %dma_start3A_31 = tpu.memref_slice %arg8[%add3A_20, %dma_start3A] : memref<10240x64xf32, #tpu.memory_space<vmem_shared>> -> memref<128x64xf32, #tpu.memory_space<vmem_shared>>
      %dma_start3A_32 = arith.constant 0 : i32
      %dma_start3A_33 = tpu.memref_slice %arg8[%add3A_20, %dma_start3A_32] : memref<10240x64xf32, #tpu.memory_space<vmem_shared>> -> memref<128x64xf32, #tpu.memory_space<vmem_shared>>
      tpu.enqueue_dma source(%arg7 : memref<128x64xf32, #tpu.memory_space<vmem>>) target(%dma_start3A_33 : memref<128x64xf32, #tpu.memory_space<vmem_shared>>) target_semaphore(%run_scoped3A : memref<!tpu.dma_semaphore, #tpu.memory_space<semaphore_mem>>)
      %dma_wait3A = arith.constant 0 : i32
      %dma_wait3A_34 = tpu.memref_slice %arg8[%add3A_20, %dma_wait3A] : memref<10240x64xf32, #tpu.memory_space<vmem_shared>> -> memref<128x64xf32, #tpu.memory_space<vmem_shared>>
      %dma_wait3A_35 = arith.constant 0 : i32
      %dma_wait3A_36 = tpu.memref_slice %arg8[%add3A_20, %dma_wait3A_35] : memref<10240x64xf32, #tpu.memory_space<vmem_shared>> -> memref<128x64xf32, #tpu.memory_space<vmem_shared>>
      tpu.wait_dma2 semaphore(%run_scoped3A : memref<!tpu.dma_semaphore, #tpu.memory_space<semaphore_mem>>) src(%arg7 : memref<128x64xf32, #tpu.memory_space<vmem>>) dst(%dma_wait3A_36 : memref<128x64xf32, #tpu.memory_space<vmem_shared>>)
      tpu.yield
    }) : () -> ()
    "tpu.region"() ({
      %run_scoped3A = tpu.sem_alloc : memref<!tpu.dma_semaphore, #tpu.memory_space<semaphore_mem>>
      tpu.enqueue_dma source(%arg3 : memref<128x64xf32, #tpu.memory_space<hbm>>) target(%arg7 : memref<128x64xf32, #tpu.memory_space<vmem>>) target_semaphore(%run_scoped3A : memref<!tpu.dma_semaphore, #tpu.memory_space<semaphore_mem>>)
      tpu.wait_dma2 semaphore(%run_scoped3A : memref<!tpu.dma_semaphore, #tpu.memory_space<semaphore_mem>>) src(%arg3 : memref<128x64xf32, #tpu.memory_space<hbm>>) dst(%arg7 : memref<128x64xf32, #tpu.memory_space<vmem>>)
      tpu.yield
    }) : () -> ()
    %barrier3A = arith.constant 0 : index
    tpu.barrier barrier_id(%barrier3A)
    %scan3A = arith.constant 0 : i32
    %scan3A_21 = arith.constant 0 : i32
    %scan3A_22 = arith.constant 80 : i32
    %scan3A_23 = arith.addi %scan3A_21, %scan3A_22 : i32
    %scan3A_24 = arith.constant 1 : i32
    scf.for %scan3A_31 = %scan3A_21 to %scan3A_23 step %scan3A_24  : i32 {
      "tpu.region"() ({
        %run_scoped3A = tpu.sem_alloc : memref<!tpu.dma_semaphore, #tpu.memory_space<semaphore_mem>>
        %dma_start3A = arith.constant 0 : i32
        %dma_start3A_32 = tpu.memref_slice %arg6[%scan3A_31, %dma_start3A] : memref<80x128xi32, #tpu.memory_space<vmem>> -> memref<1x128xi32, #tpu.memory_space<vmem>>
        %dma_start3A_33 = tpu.memref_squeeze %dma_start3A_32 : memref<1x128xi32, #tpu.memory_space<vmem>> -> memref<128xi32, #tpu.memory_space<vmem>>
        %dma_start3A_34 = arith.constant 0 : i32
        %dma_start3A_35 = arith.constant 0 : i32
        %dma_start3A_36 = tpu.memref_slice %arg8[%dma_start3A_34, %dma_start3A_35] : memref<10240x64xf32, #tpu.memory_space<vmem_shared>> -> memref<10240x64xf32, #tpu.memory_space<vmem_shared>>
        tpu.enqueue_indirect_dma source(%arg7 : memref<128x64xf32, #tpu.memory_space<vmem>>) target(%dma_start3A_36 : memref<10240x64xf32, #tpu.memory_space<vmem_shared>>) offsets(%dma_start3A_33 : memref<128xi32, #tpu.memory_space<vmem>>) semaphore(%run_scoped3A : memref<!tpu.dma_semaphore, #tpu.memory_space<semaphore_mem>>) {add = true}
        %dma_wait3A = arith.constant 0 : i32
        %dma_wait3A_37 = tpu.memref_slice %arg6[%scan3A_31, %dma_wait3A] : memref<80x128xi32, #tpu.memory_space<vmem>> -> memref<1x128xi32, #tpu.memory_space<vmem>>
        %dma_wait3A_38 = tpu.memref_squeeze %dma_wait3A_37 : memref<1x128xi32, #tpu.memory_space<vmem>> -> memref<128xi32, #tpu.memory_space<vmem>>
        %dma_wait3A_39 = arith.constant 0 : i32
        %dma_wait3A_40 = arith.constant 0 : i32
        %dma_wait3A_41 = tpu.memref_slice %arg8[%dma_wait3A_39, %dma_wait3A_40] : memref<10240x64xf32, #tpu.memory_space<vmem_shared>> -> memref<10240x64xf32, #tpu.memory_space<vmem_shared>>
        tpu.wait_indirect_dma semaphore(%run_scoped3A : memref<!tpu.dma_semaphore, #tpu.memory_space<semaphore_mem>>) src(%arg7 : memref<128x64xf32, #tpu.memory_space<vmem>>) dst(%dma_wait3A_41 : memref<10240x64xf32, #tpu.memory_space<vmem_shared>>)
        tpu.yield
      }) : () -> ()
    }
    %scan3A_25 = arith.constant 80 : i32
    %barrier3A_26 = arith.constant 0 : index
    tpu.barrier barrier_id(%barrier3A_26)
    %mul3A_27 = arith.constant 640 : i32
    %mul3A_28 = arith.muli %arg1, %mul3A_27 : i32
    %mul3A_29 = arith.constant 640 : i32
    %mul3A_30 = arith.muli %arg1, %mul3A_29 : i32
    "tpu.region"() ({
      %run_scoped3A = tpu.sem_alloc : memref<!tpu.dma_semaphore, #tpu.memory_space<semaphore_mem>>
      %dma_start3A = arith.constant 0 : i32
      %dma_start3A_31 = arith.constant 0 : i32
      %dma_start3A_32 = tpu.memref_slice %arg5[%arg0, %dma_start3A, %dma_start3A_31] : memref<2x10240x64xf32, #tpu.memory_space<hbm>> -> memref<1x10240x64xf32, #tpu.memory_space<hbm>>
      %dma_start3A_33 = tpu.memref_squeeze %dma_start3A_32 : memref<1x10240x64xf32, #tpu.memory_space<hbm>> -> memref<10240x64xf32, #tpu.memory_space<hbm>>
      %dma_start3A_34 = arith.constant 0 : i32
      %dma_start3A_35 = tpu.memref_slice %dma_start3A_33[%mul3A_30, %dma_start3A_34] : memref<10240x64xf32, #tpu.memory_space<hbm>> -> memref<640x64xf32, #tpu.memory_space<hbm>>
      %dma_start3A_36 = arith.constant 0 : i32
      %dma_start3A_37 = tpu.memref_slice %arg8[%mul3A_28, %dma_start3A_36] : memref<10240x64xf32, #tpu.memory_space<vmem_shared>> -> memref<640x64xf32, #tpu.memory_space<vmem_shared>>
      tpu.enqueue_dma source(%dma_start3A_37 : memref<640x64xf32, #tpu.memory_space<vmem_shared>>) target(%dma_start3A_35 : memref<640x64xf32, #tpu.memory_space<hbm>>) target_semaphore(%run_scoped3A : memref<!tpu.dma_semaphore, #tpu.memory_space<semaphore_mem>>)
      %dma_wait3A = arith.constant 0 : i32
      %dma_wait3A_38 = arith.constant 0 : i32
      %dma_wait3A_39 = tpu.memref_slice %arg5[%arg0, %dma_wait3A, %dma_wait3A_38] : memref<2x10240x64xf32, #tpu.memory_space<hbm>> -> memref<1x10240x64xf32, #tpu.memory_space<hbm>>
      %dma_wait3A_40 = tpu.memref_squeeze %dma_wait3A_39 : memref<1x10240x64xf32, #tpu.memory_space<hbm>> -> memref<10240x64xf32, #tpu.memory_space<hbm>>
      %dma_wait3A_41 = arith.constant 0 : i32
      %dma_wait3A_42 = tpu.memref_slice %dma_wait3A_40[%mul3A_30, %dma_wait3A_41] : memref<10240x64xf32, #tpu.memory_space<hbm>> -> memref<640x64xf32, #tpu.memory_space<hbm>>
      %dma_wait3A_43 = arith.constant 0 : i32
      %dma_wait3A_44 = tpu.memref_slice %arg8[%mul3A_28, %dma_wait3A_43] : memref<10240x64xf32, #tpu.memory_space<vmem_shared>> -> memref<640x64xf32, #tpu.memory_space<vmem_shared>>
      tpu.wait_dma2 semaphore(%run_scoped3A : memref<!tpu.dma_semaphore, #tpu.memory_space<semaphore_mem>>) src(%dma_wait3A_44 : memref<640x64xf32, #tpu.memory_space<vmem_shared>>) dst(%dma_wait3A_42 : memref<640x64xf32, #tpu.memory_space<hbm>>)
      tpu.yield
    }) : () -> ()
    return
  }
}

#map = affine_map<(d0, d1) -> (0, 0, 0)>
#map1 = affine_map<(d0, d1) -> (0, 0)>
module attributes {stable_mosaic.version = 14 : i64} {
  func.func @k(%arg0: i32, %arg1: i32, %arg2: memref<2x10240x64xf32, #tpu.memory_space<hbm>>, %arg3: memref<16x160x128xi32, #tpu.memory_space<hbm>>, %arg4: memref<16x160x128xi32, #tpu.memory_space<hbm>>, %arg5: memref<128x64xf32, #tpu.memory_space<hbm>>, %arg6: memref<2x10240x64xf32, #tpu.memory_space<hbm>>, %arg7: memref<160x128xi32, #tpu.memory_space<vmem>>, %arg8: memref<160x128xi32, #tpu.memory_space<vmem>>, %arg9: memref<128x64xf32, #tpu.memory_space<vmem>>, %arg10: memref<128x64xf32, #tpu.memory_space<vmem>>, %arg11: memref<10240x64xf32, #tpu.memory_space<vmem_shared>>, %arg12: memref<!tpu.dma_semaphore, #tpu.memory_space<semaphore_mem>>, %arg13: memref<!tpu.dma_semaphore, #tpu.memory_space<semaphore_mem>>) attributes {dimension_semantics = [#tpu.dimension_semantics<core_parallel>, #tpu.dimension_semantics<subcore_parallel>], iteration_bounds = array<i64: 2, 16>, scalar_prefetch = 0 : i64, scratch_operands = 7 : i64, tpu.core_type = #tpu.core_type<sc_vector_subcore>, window_params = [{transform_indices = #map}, {transform_indices = #map}, {transform_indices = #map}, {transform_indices = #map1}, {transform_indices = #map}]} {
    "tpu.region"() ({
      %run_scoped3A = tpu.sem_alloc : memref<!tpu.dma_semaphore, #tpu.memory_space<semaphore_mem>>
      %dma_start3A_49 = arith.constant 0 : i32
      %dma_start3A_50 = arith.constant 0 : i32
      %dma_start3A_51 = tpu.memref_slice %arg3[%arg1, %dma_start3A_49, %dma_start3A_50] : memref<16x160x128xi32, #tpu.memory_space<hbm>> -> memref<1x160x128xi32, #tpu.memory_space<hbm>>
      %dma_start3A_52 = tpu.memref_squeeze %dma_start3A_51 : memref<1x160x128xi32, #tpu.memory_space<hbm>> -> memref<160x128xi32, #tpu.memory_space<hbm>>
      %dma_start3A_53 = arith.constant 0 : i32
      %dma_start3A_54 = arith.constant 0 : i32
      %dma_start3A_55 = tpu.memref_slice %arg3[%arg1, %dma_start3A_53, %dma_start3A_54] : memref<16x160x128xi32, #tpu.memory_space<hbm>> -> memref<1x160x128xi32, #tpu.memory_space<hbm>>
      %dma_start3A_56 = tpu.memref_squeeze %dma_start3A_55 : memref<1x160x128xi32, #tpu.memory_space<hbm>> -> memref<160x128xi32, #tpu.memory_space<hbm>>
      tpu.enqueue_dma source(%dma_start3A_56 : memref<160x128xi32, #tpu.memory_space<hbm>>) target(%arg7 : memref<160x128xi32, #tpu.memory_space<vmem>>) target_semaphore(%run_scoped3A : memref<!tpu.dma_semaphore, #tpu.memory_space<semaphore_mem>>)
      %dma_wait3A = arith.constant 0 : i32
      %dma_wait3A_57 = arith.constant 0 : i32
      %dma_wait3A_58 = tpu.memref_slice %arg3[%arg1, %dma_wait3A, %dma_wait3A_57] : memref<16x160x128xi32, #tpu.memory_space<hbm>> -> memref<1x160x128xi32, #tpu.memory_space<hbm>>
      %dma_wait3A_59 = tpu.memref_squeeze %dma_wait3A_58 : memref<1x160x128xi32, #tpu.memory_space<hbm>> -> memref<160x128xi32, #tpu.memory_space<hbm>>
      %dma_wait3A_60 = arith.constant 0 : i32
      %dma_wait3A_61 = arith.constant 0 : i32
      %dma_wait3A_62 = tpu.memref_slice %arg3[%arg1, %dma_wait3A_60, %dma_wait3A_61] : memref<16x160x128xi32, #tpu.memory_space<hbm>> -> memref<1x160x128xi32, #tpu.memory_space<hbm>>
      %dma_wait3A_63 = tpu.memref_squeeze %dma_wait3A_62 : memref<1x160x128xi32, #tpu.memory_space<hbm>> -> memref<160x128xi32, #tpu.memory_space<hbm>>
      tpu.wait_dma2 semaphore(%run_scoped3A : memref<!tpu.dma_semaphore, #tpu.memory_space<semaphore_mem>>) src(%dma_wait3A_63 : memref<160x128xi32, #tpu.memory_space<hbm>>) dst(%arg7 : memref<160x128xi32, #tpu.memory_space<vmem>>)
      tpu.yield
    }) : () -> ()
    "tpu.region"() ({
      %run_scoped3A = tpu.sem_alloc : memref<!tpu.dma_semaphore, #tpu.memory_space<semaphore_mem>>
      %dma_start3A_49 = arith.constant 0 : i32
      %dma_start3A_50 = arith.constant 0 : i32
      %dma_start3A_51 = tpu.memref_slice %arg4[%arg1, %dma_start3A_49, %dma_start3A_50] : memref<16x160x128xi32, #tpu.memory_space<hbm>> -> memref<1x160x128xi32, #tpu.memory_space<hbm>>
      %dma_start3A_52 = tpu.memref_squeeze %dma_start3A_51 : memref<1x160x128xi32, #tpu.memory_space<hbm>> -> memref<160x128xi32, #tpu.memory_space<hbm>>
      %dma_start3A_53 = arith.constant 0 : i32
      %dma_start3A_54 = arith.constant 0 : i32
      %dma_start3A_55 = tpu.memref_slice %arg4[%arg1, %dma_start3A_53, %dma_start3A_54] : memref<16x160x128xi32, #tpu.memory_space<hbm>> -> memref<1x160x128xi32, #tpu.memory_space<hbm>>
      %dma_start3A_56 = tpu.memref_squeeze %dma_start3A_55 : memref<1x160x128xi32, #tpu.memory_space<hbm>> -> memref<160x128xi32, #tpu.memory_space<hbm>>
      tpu.enqueue_dma source(%dma_start3A_56 : memref<160x128xi32, #tpu.memory_space<hbm>>) target(%arg8 : memref<160x128xi32, #tpu.memory_space<vmem>>) target_semaphore(%run_scoped3A : memref<!tpu.dma_semaphore, #tpu.memory_space<semaphore_mem>>)
      %dma_wait3A = arith.constant 0 : i32
      %dma_wait3A_57 = arith.constant 0 : i32
      %dma_wait3A_58 = tpu.memref_slice %arg4[%arg1, %dma_wait3A, %dma_wait3A_57] : memref<16x160x128xi32, #tpu.memory_space<hbm>> -> memref<1x160x128xi32, #tpu.memory_space<hbm>>
      %dma_wait3A_59 = tpu.memref_squeeze %dma_wait3A_58 : memref<1x160x128xi32, #tpu.memory_space<hbm>> -> memref<160x128xi32, #tpu.memory_space<hbm>>
      %dma_wait3A_60 = arith.constant 0 : i32
      %dma_wait3A_61 = arith.constant 0 : i32
      %dma_wait3A_62 = tpu.memref_slice %arg4[%arg1, %dma_wait3A_60, %dma_wait3A_61] : memref<16x160x128xi32, #tpu.memory_space<hbm>> -> memref<1x160x128xi32, #tpu.memory_space<hbm>>
      %dma_wait3A_63 = tpu.memref_squeeze %dma_wait3A_62 : memref<1x160x128xi32, #tpu.memory_space<hbm>> -> memref<160x128xi32, #tpu.memory_space<hbm>>
      tpu.wait_dma2 semaphore(%run_scoped3A : memref<!tpu.dma_semaphore, #tpu.memory_space<semaphore_mem>>) src(%dma_wait3A_63 : memref<160x128xi32, #tpu.memory_space<hbm>>) dst(%arg8 : memref<160x128xi32, #tpu.memory_space<vmem>>)
      tpu.yield
    }) : () -> ()
    "tpu.region"() ({
      %run_scoped3A = tpu.sem_alloc : memref<!tpu.dma_semaphore, #tpu.memory_space<semaphore_mem>>
      tpu.enqueue_dma source(%arg5 : memref<128x64xf32, #tpu.memory_space<hbm>>) target(%arg9 : memref<128x64xf32, #tpu.memory_space<vmem>>) target_semaphore(%run_scoped3A : memref<!tpu.dma_semaphore, #tpu.memory_space<semaphore_mem>>)
      tpu.wait_dma2 semaphore(%run_scoped3A : memref<!tpu.dma_semaphore, #tpu.memory_space<semaphore_mem>>) src(%arg5 : memref<128x64xf32, #tpu.memory_space<hbm>>) dst(%arg9 : memref<128x64xf32, #tpu.memory_space<vmem>>)
      tpu.yield
    }) : () -> ()
    %mul3A = arith.constant 640 : i32
    %mul3A_0 = arith.muli %arg1, %mul3A : i32
    %add3A = arith.constant 0 : i32
    %add3A_1 = arith.addi %mul3A_0, %add3A : i32
    "tpu.region"() ({
      %run_scoped3A = tpu.sem_alloc : memref<!tpu.dma_semaphore, #tpu.memory_space<semaphore_mem>>
      %dma_start3A_49 = arith.constant 0 : i32
      %dma_start3A_50 = tpu.memref_slice %arg11[%add3A_1, %dma_start3A_49] : memref<10240x64xf32, #tpu.memory_space<vmem_shared>> -> memref<128x64xf32, #tpu.memory_space<vmem_shared>>
      %dma_start3A_51 = arith.constant 0 : i32
      %dma_start3A_52 = tpu.memref_slice %arg11[%add3A_1, %dma_start3A_51] : memref<10240x64xf32, #tpu.memory_space<vmem_shared>> -> memref<128x64xf32, #tpu.memory_space<vmem_shared>>
      tpu.enqueue_dma source(%arg9 : memref<128x64xf32, #tpu.memory_space<vmem>>) target(%dma_start3A_52 : memref<128x64xf32, #tpu.memory_space<vmem_shared>>) target_semaphore(%run_scoped3A : memref<!tpu.dma_semaphore, #tpu.memory_space<semaphore_mem>>)
      %dma_wait3A = arith.constant 0 : i32
      %dma_wait3A_53 = tpu.memref_slice %arg11[%add3A_1, %dma_wait3A] : memref<10240x64xf32, #tpu.memory_space<vmem_shared>> -> memref<128x64xf32, #tpu.memory_space<vmem_shared>>
      %dma_wait3A_54 = arith.constant 0 : i32
      %dma_wait3A_55 = tpu.memref_slice %arg11[%add3A_1, %dma_wait3A_54] : memref<10240x64xf32, #tpu.memory_space<vmem_shared>> -> memref<128x64xf32, #tpu.memory_space<vmem_shared>>
      tpu.wait_dma2 semaphore(%run_scoped3A : memref<!tpu.dma_semaphore, #tpu.memory_space<semaphore_mem>>) src(%arg9 : memref<128x64xf32, #tpu.memory_space<vmem>>) dst(%dma_wait3A_55 : memref<128x64xf32, #tpu.memory_space<vmem_shared>>)
      tpu.yield
    }) : () -> ()
    %mul3A_2 = arith.constant 640 : i32
    %mul3A_3 = arith.muli %arg1, %mul3A_2 : i32
    %add3A_4 = arith.constant 128 : i32
    %add3A_5 = arith.addi %mul3A_3, %add3A_4 : i32
    "tpu.region"() ({
      %run_scoped3A = tpu.sem_alloc : memref<!tpu.dma_semaphore, #tpu.memory_space<semaphore_mem>>
      %dma_start3A_49 = arith.constant 0 : i32
      %dma_start3A_50 = tpu.memref_slice %arg11[%add3A_5, %dma_start3A_49] : memref<10240x64xf32, #tpu.memory_space<vmem_shared>> -> memref<128x64xf32, #tpu.memory_space<vmem_shared>>
      %dma_start3A_51 = arith.constant 0 : i32
      %dma_start3A_52 = tpu.memref_slice %arg11[%add3A_5, %dma_start3A_51] : memref<10240x64xf32, #tpu.memory_space<vmem_shared>> -> memref<128x64xf32, #tpu.memory_space<vmem_shared>>
      tpu.enqueue_dma source(%arg9 : memref<128x64xf32, #tpu.memory_space<vmem>>) target(%dma_start3A_52 : memref<128x64xf32, #tpu.memory_space<vmem_shared>>) target_semaphore(%run_scoped3A : memref<!tpu.dma_semaphore, #tpu.memory_space<semaphore_mem>>)
      %dma_wait3A = arith.constant 0 : i32
      %dma_wait3A_53 = tpu.memref_slice %arg11[%add3A_5, %dma_wait3A] : memref<10240x64xf32, #tpu.memory_space<vmem_shared>> -> memref<128x64xf32, #tpu.memory_space<vmem_shared>>
      %dma_wait3A_54 = arith.constant 0 : i32
      %dma_wait3A_55 = tpu.memref_slice %arg11[%add3A_5, %dma_wait3A_54] : memref<10240x64xf32, #tpu.memory_space<vmem_shared>> -> memref<128x64xf32, #tpu.memory_space<vmem_shared>>
      tpu.wait_dma2 semaphore(%run_scoped3A : memref<!tpu.dma_semaphore, #tpu.memory_space<semaphore_mem>>) src(%arg9 : memref<128x64xf32, #tpu.memory_space<vmem>>) dst(%dma_wait3A_55 : memref<128x64xf32, #tpu.memory_space<vmem_shared>>)
      tpu.yield
    }) : () -> ()
    %mul3A_6 = arith.constant 640 : i32
    %mul3A_7 = arith.muli %arg1, %mul3A_6 : i32
    %add3A_8 = arith.constant 256 : i32
    %add3A_9 = arith.addi %mul3A_7, %add3A_8 : i32
    "tpu.region"() ({
      %run_scoped3A = tpu.sem_alloc : memref<!tpu.dma_semaphore, #tpu.memory_space<semaphore_mem>>
      %dma_start3A_49 = arith.constant 0 : i32
      %dma_start3A_50 = tpu.memref_slice %arg11[%add3A_9, %dma_start3A_49] : memref<10240x64xf32, #tpu.memory_space<vmem_shared>> -> memref<128x64xf32, #tpu.memory_space<vmem_shared>>
      %dma_start3A_51 = arith.constant 0 : i32
      %dma_start3A_52 = tpu.memref_slice %arg11[%add3A_9, %dma_start3A_51] : memref<10240x64xf32, #tpu.memory_space<vmem_shared>> -> memref<128x64xf32, #tpu.memory_space<vmem_shared>>
      tpu.enqueue_dma source(%arg9 : memref<128x64xf32, #tpu.memory_space<vmem>>) target(%dma_start3A_52 : memref<128x64xf32, #tpu.memory_space<vmem_shared>>) target_semaphore(%run_scoped3A : memref<!tpu.dma_semaphore, #tpu.memory_space<semaphore_mem>>)
      %dma_wait3A = arith.constant 0 : i32
      %dma_wait3A_53 = tpu.memref_slice %arg11[%add3A_9, %dma_wait3A] : memref<10240x64xf32, #tpu.memory_space<vmem_shared>> -> memref<128x64xf32, #tpu.memory_space<vmem_shared>>
      %dma_wait3A_54 = arith.constant 0 : i32
      %dma_wait3A_55 = tpu.memref_slice %arg11[%add3A_9, %dma_wait3A_54] : memref<10240x64xf32, #tpu.memory_space<vmem_shared>> -> memref<128x64xf32, #tpu.memory_space<vmem_shared>>
      tpu.wait_dma2 semaphore(%run_scoped3A : memref<!tpu.dma_semaphore, #tpu.memory_space<semaphore_mem>>) src(%arg9 : memref<128x64xf32, #tpu.memory_space<vmem>>) dst(%dma_wait3A_55 : memref<128x64xf32, #tpu.memory_space<vmem_shared>>)
      tpu.yield
    }) : () -> ()
    %mul3A_10 = arith.constant 640 : i32
    %mul3A_11 = arith.muli %arg1, %mul3A_10 : i32
    %add3A_12 = arith.constant 384 : i32
    %add3A_13 = arith.addi %mul3A_11, %add3A_12 : i32
    "tpu.region"() ({
      %run_scoped3A = tpu.sem_alloc : memref<!tpu.dma_semaphore, #tpu.memory_space<semaphore_mem>>
      %dma_start3A_49 = arith.constant 0 : i32
      %dma_start3A_50 = tpu.memref_slice %arg11[%add3A_13, %dma_start3A_49] : memref<10240x64xf32, #tpu.memory_space<vmem_shared>> -> memref<128x64xf32, #tpu.memory_space<vmem_shared>>
      %dma_start3A_51 = arith.constant 0 : i32
      %dma_start3A_52 = tpu.memref_slice %arg11[%add3A_13, %dma_start3A_51] : memref<10240x64xf32, #tpu.memory_space<vmem_shared>> -> memref<128x64xf32, #tpu.memory_space<vmem_shared>>
      tpu.enqueue_dma source(%arg9 : memref<128x64xf32, #tpu.memory_space<vmem>>) target(%dma_start3A_52 : memref<128x64xf32, #tpu.memory_space<vmem_shared>>) target_semaphore(%run_scoped3A : memref<!tpu.dma_semaphore, #tpu.memory_space<semaphore_mem>>)
      %dma_wait3A = arith.constant 0 : i32
      %dma_wait3A_53 = tpu.memref_slice %arg11[%add3A_13, %dma_wait3A] : memref<10240x64xf32, #tpu.memory_space<vmem_shared>> -> memref<128x64xf32, #tpu.memory_space<vmem_shared>>
      %dma_wait3A_54 = arith.constant 0 : i32
      %dma_wait3A_55 = tpu.memref_slice %arg11[%add3A_13, %dma_wait3A_54] : memref<10240x64xf32, #tpu.memory_space<vmem_shared>> -> memref<128x64xf32, #tpu.memory_space<vmem_shared>>
      tpu.wait_dma2 semaphore(%run_scoped3A : memref<!tpu.dma_semaphore, #tpu.memory_space<semaphore_mem>>) src(%arg9 : memref<128x64xf32, #tpu.memory_space<vmem>>) dst(%dma_wait3A_55 : memref<128x64xf32, #tpu.memory_space<vmem_shared>>)
      tpu.yield
    }) : () -> ()
    %mul3A_14 = arith.constant 640 : i32
    %mul3A_15 = arith.muli %arg1, %mul3A_14 : i32
    %add3A_16 = arith.constant 512 : i32
    %add3A_17 = arith.addi %mul3A_15, %add3A_16 : i32
    "tpu.region"() ({
      %run_scoped3A = tpu.sem_alloc : memref<!tpu.dma_semaphore, #tpu.memory_space<semaphore_mem>>
      %dma_start3A_49 = arith.constant 0 : i32
      %dma_start3A_50 = tpu.memref_slice %arg11[%add3A_17, %dma_start3A_49] : memref<10240x64xf32, #tpu.memory_space<vmem_shared>> -> memref<128x64xf32, #tpu.memory_space<vmem_shared>>
      %dma_start3A_51 = arith.constant 0 : i32
      %dma_start3A_52 = tpu.memref_slice %arg11[%add3A_17, %dma_start3A_51] : memref<10240x64xf32, #tpu.memory_space<vmem_shared>> -> memref<128x64xf32, #tpu.memory_space<vmem_shared>>
      tpu.enqueue_dma source(%arg9 : memref<128x64xf32, #tpu.memory_space<vmem>>) target(%dma_start3A_52 : memref<128x64xf32, #tpu.memory_space<vmem_shared>>) target_semaphore(%run_scoped3A : memref<!tpu.dma_semaphore, #tpu.memory_space<semaphore_mem>>)
      %dma_wait3A = arith.constant 0 : i32
      %dma_wait3A_53 = tpu.memref_slice %arg11[%add3A_17, %dma_wait3A] : memref<10240x64xf32, #tpu.memory_space<vmem_shared>> -> memref<128x64xf32, #tpu.memory_space<vmem_shared>>
      %dma_wait3A_54 = arith.constant 0 : i32
      %dma_wait3A_55 = tpu.memref_slice %arg11[%add3A_17, %dma_wait3A_54] : memref<10240x64xf32, #tpu.memory_space<vmem_shared>> -> memref<128x64xf32, #tpu.memory_space<vmem_shared>>
      tpu.wait_dma2 semaphore(%run_scoped3A : memref<!tpu.dma_semaphore, #tpu.memory_space<semaphore_mem>>) src(%arg9 : memref<128x64xf32, #tpu.memory_space<vmem>>) dst(%dma_wait3A_55 : memref<128x64xf32, #tpu.memory_space<vmem_shared>>)
      tpu.yield
    }) : () -> ()
    %barrier3A = arith.constant 0 : index
    tpu.barrier barrier_id(%barrier3A)
    %dma_start3A = arith.constant 0 : i32
    %dma_start3A_18 = arith.constant 0 : i32
    %dma_start3A_19 = tpu.memref_slice %arg7[%dma_start3A, %dma_start3A_18] : memref<160x128xi32, #tpu.memory_space<vmem>> -> memref<1x128xi32, #tpu.memory_space<vmem>>
    %dma_start3A_20 = tpu.memref_squeeze %dma_start3A_19 : memref<1x128xi32, #tpu.memory_space<vmem>> -> memref<128xi32, #tpu.memory_space<vmem>>
    %dma_start3A_21 = arith.constant 0 : i32
    %dma_start3A_22 = arith.constant 0 : i32
    %dma_start3A_23 = tpu.memref_slice %arg2[%arg0, %dma_start3A_21, %dma_start3A_22] : memref<2x10240x64xf32, #tpu.memory_space<hbm>> -> memref<1x10240x64xf32, #tpu.memory_space<hbm>>
    %dma_start3A_24 = tpu.memref_squeeze %dma_start3A_23 : memref<1x10240x64xf32, #tpu.memory_space<hbm>> -> memref<10240x64xf32, #tpu.memory_space<hbm>>
    %dma_start3A_25 = arith.constant 0 : i32
    %dma_start3A_26 = arith.constant 0 : i32
    %dma_start3A_27 = tpu.memref_slice %dma_start3A_24[%dma_start3A_25, %dma_start3A_26] : memref<10240x64xf32, #tpu.memory_space<hbm>> -> memref<10240x64xf32, #tpu.memory_space<hbm>>
    tpu.enqueue_indirect_dma source(%dma_start3A_27 : memref<10240x64xf32, #tpu.memory_space<hbm>>) target(%arg9 : memref<128x64xf32, #tpu.memory_space<vmem>>) offsets(%dma_start3A_20 : memref<128xi32, #tpu.memory_space<vmem>>) semaphore(%arg12 : memref<!tpu.dma_semaphore, #tpu.memory_space<semaphore_mem>>)
    %dma_start3A_28 = arith.constant 1 : i32
    %dma_start3A_29 = arith.constant 0 : i32
    %dma_start3A_30 = tpu.memref_slice %arg7[%dma_start3A_28, %dma_start3A_29] : memref<160x128xi32, #tpu.memory_space<vmem>> -> memref<1x128xi32, #tpu.memory_space<vmem>>
    %dma_start3A_31 = tpu.memref_squeeze %dma_start3A_30 : memref<1x128xi32, #tpu.memory_space<vmem>> -> memref<128xi32, #tpu.memory_space<vmem>>
    %dma_start3A_32 = arith.constant 0 : i32
    %dma_start3A_33 = arith.constant 0 : i32
    %dma_start3A_34 = tpu.memref_slice %arg2[%arg0, %dma_start3A_32, %dma_start3A_33] : memref<2x10240x64xf32, #tpu.memory_space<hbm>> -> memref<1x10240x64xf32, #tpu.memory_space<hbm>>
    %dma_start3A_35 = tpu.memref_squeeze %dma_start3A_34 : memref<1x10240x64xf32, #tpu.memory_space<hbm>> -> memref<10240x64xf32, #tpu.memory_space<hbm>>
    %dma_start3A_36 = arith.constant 0 : i32
    %dma_start3A_37 = arith.constant 0 : i32
    %dma_start3A_38 = tpu.memref_slice %dma_start3A_35[%dma_start3A_36, %dma_start3A_37] : memref<10240x64xf32, #tpu.memory_space<hbm>> -> memref<10240x64xf32, #tpu.memory_space<hbm>>
    tpu.enqueue_indirect_dma source(%dma_start3A_38 : memref<10240x64xf32, #tpu.memory_space<hbm>>) target(%arg10 : memref<128x64xf32, #tpu.memory_space<vmem>>) offsets(%dma_start3A_31 : memref<128xi32, #tpu.memory_space<vmem>>) semaphore(%arg13 : memref<!tpu.dma_semaphore, #tpu.memory_space<semaphore_mem>>)
    %scan3A = arith.constant 0 : i32
    %scan3A_39 = arith.constant 0 : i32
    %scan3A_40 = arith.constant 80 : i32
    %scan3A_41 = arith.addi %scan3A_39, %scan3A_40 : i32
    %scan3A_42 = arith.constant 1 : i32
    scf.for %scan3A_49 = %scan3A_39 to %scan3A_41 step %scan3A_42  : i32 {
      %mul3A_50 = arith.constant 2 : i32
      %mul3A_51 = arith.muli %mul3A_50, %scan3A_49 : i32
      %dma_wait3A = arith.constant 0 : i32
      %dma_wait3A_52 = tpu.memref_slice %arg7[%mul3A_51, %dma_wait3A] : memref<160x128xi32, #tpu.memory_space<vmem>> -> memref<1x128xi32, #tpu.memory_space<vmem>>
      %dma_wait3A_53 = tpu.memref_squeeze %dma_wait3A_52 : memref<1x128xi32, #tpu.memory_space<vmem>> -> memref<128xi32, #tpu.memory_space<vmem>>
      %dma_wait3A_54 = arith.constant 0 : i32
      %dma_wait3A_55 = arith.constant 0 : i32
      %dma_wait3A_56 = tpu.memref_slice %arg2[%arg0, %dma_wait3A_54, %dma_wait3A_55] : memref<2x10240x64xf32, #tpu.memory_space<hbm>> -> memref<1x10240x64xf32, #tpu.memory_space<hbm>>
      %dma_wait3A_57 = tpu.memref_squeeze %dma_wait3A_56 : memref<1x10240x64xf32, #tpu.memory_space<hbm>> -> memref<10240x64xf32, #tpu.memory_space<hbm>>
      %dma_wait3A_58 = arith.constant 0 : i32
      %dma_wait3A_59 = arith.constant 0 : i32
      %dma_wait3A_60 = tpu.memref_slice %dma_wait3A_57[%dma_wait3A_58, %dma_wait3A_59] : memref<10240x64xf32, #tpu.memory_space<hbm>> -> memref<10240x64xf32, #tpu.memory_space<hbm>>
      tpu.wait_indirect_dma semaphore(%arg12 : memref<!tpu.dma_semaphore, #tpu.memory_space<semaphore_mem>>) src(%dma_wait3A_60 : memref<10240x64xf32, #tpu.memory_space<hbm>>) dst(%arg9 : memref<128x64xf32, #tpu.memory_space<vmem>>)
      "tpu.region"() ({
        %run_scoped3A = tpu.sem_alloc : memref<!tpu.dma_semaphore, #tpu.memory_space<semaphore_mem>>
        %dma_start3A_86 = arith.constant 0 : i32
        %dma_start3A_87 = tpu.memref_slice %arg8[%mul3A_51, %dma_start3A_86] : memref<160x128xi32, #tpu.memory_space<vmem>> -> memref<1x128xi32, #tpu.memory_space<vmem>>
        %dma_start3A_88 = tpu.memref_squeeze %dma_start3A_87 : memref<1x128xi32, #tpu.memory_space<vmem>> -> memref<128xi32, #tpu.memory_space<vmem>>
        %dma_start3A_89 = arith.constant 0 : i32
        %dma_start3A_90 = arith.constant 0 : i32
        %dma_start3A_91 = tpu.memref_slice %arg11[%dma_start3A_89, %dma_start3A_90] : memref<10240x64xf32, #tpu.memory_space<vmem_shared>> -> memref<10240x64xf32, #tpu.memory_space<vmem_shared>>
        tpu.enqueue_indirect_dma source(%arg9 : memref<128x64xf32, #tpu.memory_space<vmem>>) target(%dma_start3A_91 : memref<10240x64xf32, #tpu.memory_space<vmem_shared>>) offsets(%dma_start3A_88 : memref<128xi32, #tpu.memory_space<vmem>>) semaphore(%run_scoped3A : memref<!tpu.dma_semaphore, #tpu.memory_space<semaphore_mem>>) {add = true}
        %dma_wait3A_92 = arith.constant 0 : i32
        %dma_wait3A_93 = tpu.memref_slice %arg8[%mul3A_51, %dma_wait3A_92] : memref<160x128xi32, #tpu.memory_space<vmem>> -> memref<1x128xi32, #tpu.memory_space<vmem>>
        %dma_wait3A_94 = tpu.memref_squeeze %dma_wait3A_93 : memref<1x128xi32, #tpu.memory_space<vmem>> -> memref<128xi32, #tpu.memory_space<vmem>>
        %dma_wait3A_95 = arith.constant 0 : i32
        %dma_wait3A_96 = arith.constant 0 : i32
        %dma_wait3A_97 = tpu.memref_slice %arg11[%dma_wait3A_95, %dma_wait3A_96] : memref<10240x64xf32, #tpu.memory_space<vmem_shared>> -> memref<10240x64xf32, #tpu.memory_space<vmem_shared>>
        tpu.wait_indirect_dma semaphore(%run_scoped3A : memref<!tpu.dma_semaphore, #tpu.memory_space<semaphore_mem>>) src(%arg9 : memref<128x64xf32, #tpu.memory_space<vmem>>) dst(%dma_wait3A_97 : memref<10240x64xf32, #tpu.memory_space<vmem_shared>>)
        tpu.yield
      }) : () -> ()
      %add3A_61 = arith.constant 2 : i32
      %add3A_62 = arith.addi %mul3A_51, %add3A_61 : i32
      %lt3A = arith.constant 160 : i32
      %lt3A_63 = arith.cmpi slt, %add3A_62, %lt3A : i32
      %convert_element_type3A = arith.extui %lt3A_63 : i1 to i32
      %cond3A = arith.constant 0 : i32
      %cond3A_64 = arith.cmpi ne, %convert_element_type3A, %cond3A : i32
      scf.if %cond3A_64 {
        %add3A_86 = arith.constant 2 : i32
        %add3A_87 = arith.addi %mul3A_51, %add3A_86 : i32
        %dma_start3A_88 = arith.constant 0 : i32
        %dma_start3A_89 = tpu.memref_slice %arg7[%add3A_87, %dma_start3A_88] : memref<160x128xi32, #tpu.memory_space<vmem>> -> memref<1x128xi32, #tpu.memory_space<vmem>>
        %dma_start3A_90 = tpu.memref_squeeze %dma_start3A_89 : memref<1x128xi32, #tpu.memory_space<vmem>> -> memref<128xi32, #tpu.memory_space<vmem>>
        %dma_start3A_91 = arith.constant 0 : i32
        %dma_start3A_92 = arith.constant 0 : i32
        %dma_start3A_93 = tpu.memref_slice %arg2[%arg0, %dma_start3A_91, %dma_start3A_92] : memref<2x10240x64xf32, #tpu.memory_space<hbm>> -> memref<1x10240x64xf32, #tpu.memory_space<hbm>>
        %dma_start3A_94 = tpu.memref_squeeze %dma_start3A_93 : memref<1x10240x64xf32, #tpu.memory_space<hbm>> -> memref<10240x64xf32, #tpu.memory_space<hbm>>
        %dma_start3A_95 = arith.constant 0 : i32
        %dma_start3A_96 = arith.constant 0 : i32
        %dma_start3A_97 = tpu.memref_slice %dma_start3A_94[%dma_start3A_95, %dma_start3A_96] : memref<10240x64xf32, #tpu.memory_space<hbm>> -> memref<10240x64xf32, #tpu.memory_space<hbm>>
        tpu.enqueue_indirect_dma source(%dma_start3A_97 : memref<10240x64xf32, #tpu.memory_space<hbm>>) target(%arg9 : memref<128x64xf32, #tpu.memory_space<vmem>>) offsets(%dma_start3A_90 : memref<128xi32, #tpu.memory_space<vmem>>) semaphore(%arg12 : memref<!tpu.dma_semaphore, #tpu.memory_space<semaphore_mem>>)
      } else {
      }
      %add3A_65 = arith.constant 1 : i32
      %add3A_66 = arith.addi %mul3A_51, %add3A_65 : i32
      %dma_wait3A_67 = arith.constant 0 : i32
      %dma_wait3A_68 = tpu.memref_slice %arg7[%add3A_66, %dma_wait3A_67] : memref<160x128xi32, #tpu.memory_space<vmem>> -> memref<1x128xi32, #tpu.memory_space<vmem>>
      %dma_wait3A_69 = tpu.memref_squeeze %dma_wait3A_68 : memref<1x128xi32, #tpu.memory_space<vmem>> -> memref<128xi32, #tpu.memory_space<vmem>>
      %dma_wait3A_70 = arith.constant 0 : i32
      %dma_wait3A_71 = arith.constant 0 : i32
      %dma_wait3A_72 = tpu.memref_slice %arg2[%arg0, %dma_wait3A_70, %dma_wait3A_71] : memref<2x10240x64xf32, #tpu.memory_space<hbm>> -> memref<1x10240x64xf32, #tpu.memory_space<hbm>>
      %dma_wait3A_73 = tpu.memref_squeeze %dma_wait3A_72 : memref<1x10240x64xf32, #tpu.memory_space<hbm>> -> memref<10240x64xf32, #tpu.memory_space<hbm>>
      %dma_wait3A_74 = arith.constant 0 : i32
      %dma_wait3A_75 = arith.constant 0 : i32
      %dma_wait3A_76 = tpu.memref_slice %dma_wait3A_73[%dma_wait3A_74, %dma_wait3A_75] : memref<10240x64xf32, #tpu.memory_space<hbm>> -> memref<10240x64xf32, #tpu.memory_space<hbm>>
      tpu.wait_indirect_dma semaphore(%arg13 : memref<!tpu.dma_semaphore, #tpu.memory_space<semaphore_mem>>) src(%dma_wait3A_76 : memref<10240x64xf32, #tpu.memory_space<hbm>>) dst(%arg10 : memref<128x64xf32, #tpu.memory_space<vmem>>)
      %add3A_77 = arith.constant 1 : i32
      %add3A_78 = arith.addi %mul3A_51, %add3A_77 : i32
      "tpu.region"() ({
        %run_scoped3A = tpu.sem_alloc : memref<!tpu.dma_semaphore, #tpu.memory_space<semaphore_mem>>
        %dma_start3A_86 = arith.constant 0 : i32
        %dma_start3A_87 = tpu.memref_slice %arg8[%add3A_78, %dma_start3A_86] : memref<160x128xi32, #tpu.memory_space<vmem>> -> memref<1x128xi32, #tpu.memory_space<vmem>>
        %dma_start3A_88 = tpu.memref_squeeze %dma_start3A_87 : memref<1x128xi32, #tpu.memory_space<vmem>> -> memref<128xi32, #tpu.memory_space<vmem>>
        %dma_start3A_89 = arith.constant 0 : i32
        %dma_start3A_90 = arith.constant 0 : i32
        %dma_start3A_91 = tpu.memref_slice %arg11[%dma_start3A_89, %dma_start3A_90] : memref<10240x64xf32, #tpu.memory_space<vmem_shared>> -> memref<10240x64xf32, #tpu.memory_space<vmem_shared>>
        tpu.enqueue_indirect_dma source(%arg10 : memref<128x64xf32, #tpu.memory_space<vmem>>) target(%dma_start3A_91 : memref<10240x64xf32, #tpu.memory_space<vmem_shared>>) offsets(%dma_start3A_88 : memref<128xi32, #tpu.memory_space<vmem>>) semaphore(%run_scoped3A : memref<!tpu.dma_semaphore, #tpu.memory_space<semaphore_mem>>) {add = true}
        %dma_wait3A_92 = arith.constant 0 : i32
        %dma_wait3A_93 = tpu.memref_slice %arg8[%add3A_78, %dma_wait3A_92] : memref<160x128xi32, #tpu.memory_space<vmem>> -> memref<1x128xi32, #tpu.memory_space<vmem>>
        %dma_wait3A_94 = tpu.memref_squeeze %dma_wait3A_93 : memref<1x128xi32, #tpu.memory_space<vmem>> -> memref<128xi32, #tpu.memory_space<vmem>>
        %dma_wait3A_95 = arith.constant 0 : i32
        %dma_wait3A_96 = arith.constant 0 : i32
        %dma_wait3A_97 = tpu.memref_slice %arg11[%dma_wait3A_95, %dma_wait3A_96] : memref<10240x64xf32, #tpu.memory_space<vmem_shared>> -> memref<10240x64xf32, #tpu.memory_space<vmem_shared>>
        tpu.wait_indirect_dma semaphore(%run_scoped3A : memref<!tpu.dma_semaphore, #tpu.memory_space<semaphore_mem>>) src(%arg10 : memref<128x64xf32, #tpu.memory_space<vmem>>) dst(%dma_wait3A_97 : memref<10240x64xf32, #tpu.memory_space<vmem_shared>>)
        tpu.yield
      }) : () -> ()
      %add3A_79 = arith.constant 3 : i32
      %add3A_80 = arith.addi %mul3A_51, %add3A_79 : i32
      %lt3A_81 = arith.constant 160 : i32
      %lt3A_82 = arith.cmpi slt, %add3A_80, %lt3A_81 : i32
      %convert_element_type3A_83 = arith.extui %lt3A_82 : i1 to i32
      %cond3A_84 = arith.constant 0 : i32
      %cond3A_85 = arith.cmpi ne, %convert_element_type3A_83, %cond3A_84 : i32
      scf.if %cond3A_85 {
        %add3A_86 = arith.constant 3 : i32
        %add3A_87 = arith.addi %mul3A_51, %add3A_86 : i32
        %dma_start3A_88 = arith.constant 0 : i32
        %dma_start3A_89 = tpu.memref_slice %arg7[%add3A_87, %dma_start3A_88] : memref<160x128xi32, #tpu.memory_space<vmem>> -> memref<1x128xi32, #tpu.memory_space<vmem>>
        %dma_start3A_90 = tpu.memref_squeeze %dma_start3A_89 : memref<1x128xi32, #tpu.memory_space<vmem>> -> memref<128xi32, #tpu.memory_space<vmem>>
        %dma_start3A_91 = arith.constant 0 : i32
        %dma_start3A_92 = arith.constant 0 : i32
        %dma_start3A_93 = tpu.memref_slice %arg2[%arg0, %dma_start3A_91, %dma_start3A_92] : memref<2x10240x64xf32, #tpu.memory_space<hbm>> -> memref<1x10240x64xf32, #tpu.memory_space<hbm>>
        %dma_start3A_94 = tpu.memref_squeeze %dma_start3A_93 : memref<1x10240x64xf32, #tpu.memory_space<hbm>> -> memref<10240x64xf32, #tpu.memory_space<hbm>>
        %dma_start3A_95 = arith.constant 0 : i32
        %dma_start3A_96 = arith.constant 0 : i32
        %dma_start3A_97 = tpu.memref_slice %dma_start3A_94[%dma_start3A_95, %dma_start3A_96] : memref<10240x64xf32, #tpu.memory_space<hbm>> -> memref<10240x64xf32, #tpu.memory_space<hbm>>
        tpu.enqueue_indirect_dma source(%dma_start3A_97 : memref<10240x64xf32, #tpu.memory_space<hbm>>) target(%arg10 : memref<128x64xf32, #tpu.memory_space<vmem>>) offsets(%dma_start3A_90 : memref<128xi32, #tpu.memory_space<vmem>>) semaphore(%arg13 : memref<!tpu.dma_semaphore, #tpu.memory_space<semaphore_mem>>)
      } else {
      }
    }
    %scan3A_43 = arith.constant 80 : i32
    %barrier3A_44 = arith.constant 0 : index
    tpu.barrier barrier_id(%barrier3A_44)
    %mul3A_45 = arith.constant 640 : i32
    %mul3A_46 = arith.muli %arg1, %mul3A_45 : i32
    %mul3A_47 = arith.constant 640 : i32
    %mul3A_48 = arith.muli %arg1, %mul3A_47 : i32
    "tpu.region"() ({
      %run_scoped3A = tpu.sem_alloc : memref<!tpu.dma_semaphore, #tpu.memory_space<semaphore_mem>>
      %dma_start3A_49 = arith.constant 0 : i32
      %dma_start3A_50 = arith.constant 0 : i32
      %dma_start3A_51 = tpu.memref_slice %arg6[%arg0, %dma_start3A_49, %dma_start3A_50] : memref<2x10240x64xf32, #tpu.memory_space<hbm>> -> memref<1x10240x64xf32, #tpu.memory_space<hbm>>
      %dma_start3A_52 = tpu.memref_squeeze %dma_start3A_51 : memref<1x10240x64xf32, #tpu.memory_space<hbm>> -> memref<10240x64xf32, #tpu.memory_space<hbm>>
      %dma_start3A_53 = arith.constant 0 : i32
      %dma_start3A_54 = tpu.memref_slice %dma_start3A_52[%mul3A_48, %dma_start3A_53] : memref<10240x64xf32, #tpu.memory_space<hbm>> -> memref<640x64xf32, #tpu.memory_space<hbm>>
      %dma_start3A_55 = arith.constant 0 : i32
      %dma_start3A_56 = tpu.memref_slice %arg11[%mul3A_46, %dma_start3A_55] : memref<10240x64xf32, #tpu.memory_space<vmem_shared>> -> memref<640x64xf32, #tpu.memory_space<vmem_shared>>
      tpu.enqueue_dma source(%dma_start3A_56 : memref<640x64xf32, #tpu.memory_space<vmem_shared>>) target(%dma_start3A_54 : memref<640x64xf32, #tpu.memory_space<hbm>>) target_semaphore(%run_scoped3A : memref<!tpu.dma_semaphore, #tpu.memory_space<semaphore_mem>>)
      %dma_wait3A = arith.constant 0 : i32
      %dma_wait3A_57 = arith.constant 0 : i32
      %dma_wait3A_58 = tpu.memref_slice %arg6[%arg0, %dma_wait3A, %dma_wait3A_57] : memref<2x10240x64xf32, #tpu.memory_space<hbm>> -> memref<1x10240x64xf32, #tpu.memory_space<hbm>>
      %dma_wait3A_59 = tpu.memref_squeeze %dma_wait3A_58 : memref<1x10240x64xf32, #tpu.memory_space<hbm>> -> memref<10240x64xf32, #tpu.memory_space<hbm>>
      %dma_wait3A_60 = arith.constant 0 : i32
      %dma_wait3A_61 = tpu.memref_slice %dma_wait3A_59[%mul3A_48, %dma_wait3A_60] : memref<10240x64xf32, #tpu.memory_space<hbm>> -> memref<640x64xf32, #tpu.memory_space<hbm>>
      %dma_wait3A_62 = arith.constant 0 : i32
      %dma_wait3A_63 = tpu.memref_slice %arg11[%mul3A_46, %dma_wait3A_62] : memref<10240x64xf32, #tpu.memory_space<vmem_shared>> -> memref<640x64xf32, #tpu.memory_space<vmem_shared>>
      tpu.wait_dma2 semaphore(%run_scoped3A : memref<!tpu.dma_semaphore, #tpu.memory_space<semaphore_mem>>) src(%dma_wait3A_63 : memref<640x64xf32, #tpu.memory_space<vmem_shared>>) dst(%dma_wait3A_61 : memref<640x64xf32, #tpu.memory_space<hbm>>)
      tpu.yield
    }) : () -> ()
    return
  }
}

module attributes {stable_mosaic.version = 14 : i64} {
  func.func @_tc1_kernel(%arg0: i32, %arg1: memref<1024x128xf32, #tpu.memory_space<vmem>>, %arg2: memref<128x128xf32, #tpu.memory_space<vmem>>, %arg3: memref<2x1024x64xf32, #tpu.memory_space<vmem>>, %arg4: memref<1024x1xf32, #tpu.memory_space<vmem>>, %arg5: memref<2x1024x64xf32, #tpu.memory_space<vmem>>) attributes {dimension_semantics = [#tpu.dimension_semantics<arbitrary>], iteration_bounds = array<i64: 10>, scalar_prefetch = 0 : i64, scratch_operands = 0 : i64, tpu.core_type = #tpu.core_type<tc>, window_params = [{transform_indices = @transform_0, window_bounds = array<i64: 1024, 128>}, {pipeline_mode = #tpu.pipeline_mode<synchronous>, transform_indices = @transform_1, window_bounds = array<i64: 128, 128>}, {transform_indices = @transform_2, window_bounds = array<i64: 2, 1024, 64>}, {transform_indices = @transform_3, window_bounds = array<i64: 1024, 1>}, {transform_indices = @transform_4, window_bounds = array<i64: 2, 1024, 64>}]} {
    %get3A = arith.constant 0 : index
    %get3A_0 = arith.constant 0 : index
    %get3A_1 = arith.constant 0 : index
    %get3A_2 = vector.load %arg3[%get3A, %get3A_0, %get3A_1] : memref<2x1024x64xf32, #tpu.memory_space<vmem>>, vector<1x1024x64xf32>
    %get3A_3 = vector.shape_cast %get3A_2 : vector<1x1024x64xf32> to vector<1024x64xf32>
    %slice3A = vector.extract_strided_slice %get3A_3 {offsets = [0, 0], sizes = [1024, 1], strides = [1, 1]} : vector<1024x64xf32> to vector<1024x1xf32>
    %get3A_4 = arith.constant 1 : index
    %get3A_5 = arith.constant 0 : index
    %get3A_6 = arith.constant 0 : index
    %get3A_7 = vector.load %arg3[%get3A_4, %get3A_5, %get3A_6] : memref<2x1024x64xf32, #tpu.memory_space<vmem>>, vector<1x1024x64xf32>
    %get3A_8 = vector.shape_cast %get3A_7 : vector<1x1024x64xf32> to vector<1024x64xf32>
    %slice3A_9 = vector.extract_strided_slice %get3A_8 {offsets = [0, 0], sizes = [1024, 1], strides = [1, 1]} : vector<1024x64xf32> to vector<1024x1xf32>
    %add3A = arith.addf %slice3A, %slice3A_9 : vector<1024x1xf32>
    %add3A_10 = arith.constant 1.000000e+00 : f32
    %add3A_11 = vector.broadcast %add3A_10 : f32 to vector<1024x1xf32>
    %add3A_12 = arith.addf %add3A, %add3A_11 : vector<1024x1xf32>
    %rsqrt3A = math.rsqrt %add3A_12 : vector<1024x1xf32>
    %swap3A = arith.constant 0 : index
    %swap3A_13 = arith.constant 0 : index
    %swap3A_14 = vector.load %arg4[%swap3A, %swap3A_13] : memref<1024x1xf32, #tpu.memory_space<vmem>>, vector<1024x1xf32>
    tpu.vector_store %arg4[%swap3A, %swap3A_13], %rsqrt3A {strides = array<i32>} : memref<1024x1xf32, #tpu.memory_space<vmem>>, vector<1024x1xf32>,
    %get3A_15 = arith.constant 0 : index
    %get3A_16 = arith.constant 0 : index
    %get3A_17 = vector.load %arg1[%get3A_15, %get3A_16] : memref<1024x128xf32, #tpu.memory_space<vmem>>, vector<1024x128xf32>
    %get3A_18 = arith.constant 0 : index
    %get3A_19 = arith.constant 0 : index
    %get3A_20 = vector.load %arg2[%get3A_18, %get3A_19] : memref<128x128xf32, #tpu.memory_space<vmem>>, vector<128x128xf32>
    %dot_general3A = arith.constant dense<0.000000e+00> : vector<1024x128xf32>
    %dot_general3A_21 = tpu.matmul %get3A_17, %get3A_20, %dot_general3A {dimension_numbers = #tpu.dot_dimension_numbers<[1], [0], [0], [1], [0, 0, 1, 1], [], []>, precision = #tpu.contract_precision<fp32>, transpose_lhs_hint = false} : vector<1024x128xf32>, vector<128x128xf32>, vector<1024x128xf32> -> vector<1024x128xf32>
    %mul3A = vector.broadcast %rsqrt3A : vector<1024x1xf32> to vector<1024x128xf32>
    %mul3A_22 = arith.mulf %dot_general3A_21, %mul3A : vector<1024x128xf32>
    %slice3A_23 = vector.extract_strided_slice %mul3A_22 {offsets = [0, 0], sizes = [1024, 64], strides = [1, 1]} : vector<1024x128xf32> to vector<1024x64xf32>
    %swap3A_24 = arith.constant 0 : index
    %swap3A_25 = arith.constant 0 : index
    %swap3A_26 = arith.constant 0 : index
    %swap3A_27 = vector.load %arg5[%swap3A_24, %swap3A_25, %swap3A_26] : memref<2x1024x64xf32, #tpu.memory_space<vmem>>, vector<1x1024x64xf32>
    %swap3A_28 = vector.shape_cast %swap3A_27 : vector<1x1024x64xf32> to vector<1024x64xf32>
    %swap3A_29 = vector.shape_cast %slice3A_23 : vector<1024x64xf32> to vector<1x1024x64xf32>
    tpu.vector_store %arg5[%swap3A_24, %swap3A_25, %swap3A_26], %swap3A_29 {strides = array<i32>} : memref<2x1024x64xf32, #tpu.memory_space<vmem>>, vector<1x1024x64xf32>,
    %slice3A_30 = vector.extract_strided_slice %mul3A_22 {offsets = [0, 64], sizes = [1024, 64], strides = [1, 1]} : vector<1024x128xf32> to vector<1024x64xf32>
    %swap3A_31 = arith.constant 1 : index
    %swap3A_32 = arith.constant 0 : index
    %swap3A_33 = arith.constant 0 : index
    %swap3A_34 = vector.load %arg5[%swap3A_31, %swap3A_32, %swap3A_33] : memref<2x1024x64xf32, #tpu.memory_space<vmem>>, vector<1x1024x64xf32>
    %swap3A_35 = vector.shape_cast %swap3A_34 : vector<1x1024x64xf32> to vector<1024x64xf32>
    %swap3A_36 = vector.shape_cast %slice3A_30 : vector<1024x64xf32> to vector<1x1024x64xf32>
    tpu.vector_store %arg5[%swap3A_31, %swap3A_32, %swap3A_33], %swap3A_36 {strides = array<i32>} : memref<2x1024x64xf32, #tpu.memory_space<vmem>>, vector<1x1024x64xf32>,
    return
  }
  func.func @transform_0(%arg0: i32) -> (i32, i32) {
    %c0_i32 = arith.constant 0 : i32
    %c0_i32_0 = arith.constant 0 : i32
    return %arg0, %c0_i32 : i32, i32
  }
  func.func @transform_1(%arg0: i32) -> (i32, i32) {
    %c0_i32 = arith.constant 0 : i32
    %c0_i32_0 = arith.constant 0 : i32
    %c0_i32_1 = arith.constant 0 : i32
    return %c0_i32, %c0_i32_0 : i32, i32
  }
  func.func @transform_2(%arg0: i32) -> (i32, i32, i32) {
    %c0_i32 = arith.constant 0 : i32
    %c0_i32_0 = arith.constant 0 : i32
    %c0_i32_1 = arith.constant 0 : i32
    return %c0_i32, %arg0, %c0_i32_0 : i32, i32, i32
  }
  func.func @transform_3(%arg0: i32) -> (i32, i32) {
    %c0_i32 = arith.constant 0 : i32
    %c0_i32_0 = arith.constant 0 : i32
    return %arg0, %c0_i32 : i32, i32
  }
  func.func @transform_4(%arg0: i32) -> (i32, i32, i32) {
    %c0_i32 = arith.constant 0 : i32
    %c0_i32_0 = arith.constant 0 : i32
    %c0_i32_1 = arith.constant 0 : i32
    return %c0_i32, %arg0, %c0_i32_0 : i32, i32, i32
  }
}

module attributes {stable_mosaic.version = 14 : i64} {
  func.func @_tc2_kernel(%arg0: i32, %arg1: memref<2x1024x64xf32, #tpu.memory_space<vmem>>, %arg2: memref<2x1024x64xf32, #tpu.memory_space<vmem>>, %arg3: memref<1024x1xf32, #tpu.memory_space<vmem>>, %arg4: memref<128xf32, #tpu.memory_space<vmem>>, %arg5: memref<128x128xf32, #tpu.memory_space<vmem>>, %arg6: memref<2x1024x64xf32, #tpu.memory_space<vmem>>) attributes {dimension_semantics = [#tpu.dimension_semantics<arbitrary>], iteration_bounds = array<i64: 10>, scalar_prefetch = 0 : i64, scratch_operands = 0 : i64, tpu.core_type = #tpu.core_type<tc>, window_params = [{transform_indices = @transform_0, window_bounds = array<i64: 2, 1024, 64>}, {transform_indices = @transform_1, window_bounds = array<i64: 2, 1024, 64>}, {transform_indices = @transform_2, window_bounds = array<i64: 1024, 1>}, {pipeline_mode = #tpu.pipeline_mode<synchronous>, transform_indices = @transform_3, window_bounds = array<i64: 128>}, {pipeline_mode = #tpu.pipeline_mode<synchronous>, transform_indices = @transform_4, window_bounds = array<i64: 128, 128>}, {transform_indices = @transform_5, window_bounds = array<i64: 2, 1024, 64>}]} {
    %get3A = arith.constant 0 : index
    %get3A_0 = arith.constant 0 : index
    %get3A_1 = arith.constant 0 : index
    %get3A_2 = vector.load %arg1[%get3A, %get3A_0, %get3A_1] : memref<2x1024x64xf32, #tpu.memory_space<vmem>>, vector<1x1024x64xf32>
    %get3A_3 = vector.shape_cast %get3A_2 : vector<1x1024x64xf32> to vector<1024x64xf32>
    %get3A_4 = arith.constant 0 : index
    %get3A_5 = arith.constant 0 : index
    %get3A_6 = arith.constant 0 : index
    %get3A_7 = vector.load %arg2[%get3A_4, %get3A_5, %get3A_6] : memref<2x1024x64xf32, #tpu.memory_space<vmem>>, vector<1x1024x64xf32>
    %get3A_8 = vector.shape_cast %get3A_7 : vector<1x1024x64xf32> to vector<1024x64xf32>
    %add3A = arith.addf %get3A_3, %get3A_8 : vector<1024x64xf32>
    %get3A_9 = arith.constant 1 : index
    %get3A_10 = arith.constant 0 : index
    %get3A_11 = arith.constant 0 : index
    %get3A_12 = vector.load %arg1[%get3A_9, %get3A_10, %get3A_11] : memref<2x1024x64xf32, #tpu.memory_space<vmem>>, vector<1x1024x64xf32>
    %get3A_13 = vector.shape_cast %get3A_12 : vector<1x1024x64xf32> to vector<1024x64xf32>
    %get3A_14 = arith.constant 1 : index
    %get3A_15 = arith.constant 0 : index
    %get3A_16 = arith.constant 0 : index
    %get3A_17 = vector.load %arg2[%get3A_14, %get3A_15, %get3A_16] : memref<2x1024x64xf32, #tpu.memory_space<vmem>>, vector<1x1024x64xf32>
    %get3A_18 = vector.shape_cast %get3A_17 : vector<1x1024x64xf32> to vector<1024x64xf32>
    %add3A_19 = arith.addf %get3A_13, %get3A_18 : vector<1024x64xf32>
    %concatenate3A = tpu.concatenate %add3A, %add3A_19 in 1 : vector<1024x64xf32>, vector<1024x64xf32> -> vector<1024x128xf32>
    %get3A_20 = arith.constant 0 : index
    %get3A_21 = arith.constant 0 : index
    %get3A_22 = vector.load %arg3[%get3A_20, %get3A_21] : memref<1024x1xf32, #tpu.memory_space<vmem>>, vector<1024x1xf32>
    %mul3A = vector.broadcast %get3A_22 : vector<1024x1xf32> to vector<1024x128xf32>
    %mul3A_23 = arith.mulf %concatenate3A, %mul3A : vector<1024x128xf32>
    %get3A_24 = arith.constant 0 : index
    %get3A_25 = vector.load %arg4[%get3A_24] : memref<128xf32, #tpu.memory_space<vmem>>, vector<128xf32>
    %broadcast_in_dim3A = vector.shape_cast %get3A_25 : vector<128xf32> to vector<1x128xf32>
    %add3A_26 = vector.broadcast %broadcast_in_dim3A : vector<1x128xf32> to vector<1024x128xf32>
    %add3A_27 = arith.addf %mul3A_23, %add3A_26 : vector<1024x128xf32>
    %ge3A = arith.constant 0.000000e+00 : f32
    %ge3A_28 = vector.broadcast %ge3A : f32 to vector<1024x128xf32>
    %ge3A_29 = arith.cmpf oge, %add3A_27, %ge3A_28 : vector<1024x128xf32>
    %mul3A_30 = arith.constant 0.00999999977 : f32
    %mul3A_31 = vector.broadcast %mul3A_30 : f32 to vector<1024x128xf32>
    %mul3A_32 = arith.mulf %mul3A_31, %add3A_27 : vector<1024x128xf32>
    %select_n3A = arith.select %ge3A_29, %add3A_27, %mul3A_32 : vector<1024x128xi1>, vector<1024x128xf32>
    %get3A_33 = arith.constant 0 : index
    %get3A_34 = arith.constant 0 : index
    %get3A_35 = vector.load %arg5[%get3A_33, %get3A_34] : memref<128x128xf32, #tpu.memory_space<vmem>>, vector<128x128xf32>
    %dot_general3A = arith.constant dense<0.000000e+00> : vector<1024x128xf32>
    %dot_general3A_36 = tpu.matmul %select_n3A, %get3A_35, %dot_general3A {dimension_numbers = #tpu.dot_dimension_numbers<[1], [0], [0], [1], [0, 0, 1, 1], [], []>, precision = #tpu.contract_precision<fp32>, transpose_lhs_hint = false} : vector<1024x128xf32>, vector<128x128xf32>, vector<1024x128xf32> -> vector<1024x128xf32>
    %get3A_37 = arith.constant 0 : index
    %get3A_38 = arith.constant 0 : index
    %get3A_39 = vector.load %arg3[%get3A_37, %get3A_38] : memref<1024x1xf32, #tpu.memory_space<vmem>>, vector<1024x1xf32>
    %mul3A_40 = vector.broadcast %get3A_39 : vector<1024x1xf32> to vector<1024x128xf32>
    %mul3A_41 = arith.mulf %dot_general3A_36, %mul3A_40 : vector<1024x128xf32>
    %slice3A = vector.extract_strided_slice %mul3A_41 {offsets = [0, 0], sizes = [1024, 64], strides = [1, 1]} : vector<1024x128xf32> to vector<1024x64xf32>
    %swap3A = arith.constant 0 : index
    %swap3A_42 = arith.constant 0 : index
    %swap3A_43 = arith.constant 0 : index
    %swap3A_44 = vector.load %arg6[%swap3A, %swap3A_42, %swap3A_43] : memref<2x1024x64xf32, #tpu.memory_space<vmem>>, vector<1x1024x64xf32>
    %swap3A_45 = vector.shape_cast %swap3A_44 : vector<1x1024x64xf32> to vector<1024x64xf32>
    %swap3A_46 = vector.shape_cast %slice3A : vector<1024x64xf32> to vector<1x1024x64xf32>
    tpu.vector_store %arg6[%swap3A, %swap3A_42, %swap3A_43], %swap3A_46 {strides = array<i32>} : memref<2x1024x64xf32, #tpu.memory_space<vmem>>, vector<1x1024x64xf32>,
    %slice3A_47 = vector.extract_strided_slice %mul3A_41 {offsets = [0, 64], sizes = [1024, 64], strides = [1, 1]} : vector<1024x128xf32> to vector<1024x64xf32>
    %swap3A_48 = arith.constant 1 : index
    %swap3A_49 = arith.constant 0 : index
    %swap3A_50 = arith.constant 0 : index
    %swap3A_51 = vector.load %arg6[%swap3A_48, %swap3A_49, %swap3A_50] : memref<2x1024x64xf32, #tpu.memory_space<vmem>>, vector<1x1024x64xf32>
    %swap3A_52 = vector.shape_cast %swap3A_51 : vector<1x1024x64xf32> to vector<1024x64xf32>
    %swap3A_53 = vector.shape_cast %slice3A_47 : vector<1024x64xf32> to vector<1x1024x64xf32>
    tpu.vector_store %arg6[%swap3A_48, %swap3A_49, %swap3A_50], %swap3A_53 {strides = array<i32>} : memref<2x1024x64xf32, #tpu.memory_space<vmem>>, vector<1x1024x64xf32>,
    return
  }
  func.func @transform_0(%arg0: i32) -> (i32, i32, i32) {
    %c0_i32 = arith.constant 0 : i32
    %c0_i32_0 = arith.constant 0 : i32
    %c0_i32_1 = arith.constant 0 : i32
    return %c0_i32, %arg0, %c0_i32_0 : i32, i32, i32
  }
  func.func @transform_1(%arg0: i32) -> (i32, i32, i32) {
    %c0_i32 = arith.constant 0 : i32
    %c0_i32_0 = arith.constant 0 : i32
    %c0_i32_1 = arith.constant 0 : i32
    return %c0_i32, %arg0, %c0_i32_0 : i32, i32, i32
  }
  func.func @transform_2(%arg0: i32) -> (i32, i32) {
    %c0_i32 = arith.constant 0 : i32
    %c0_i32_0 = arith.constant 0 : i32
    return %arg0, %c0_i32 : i32, i32
  }
  func.func @transform_3(%arg0: i32) -> i32 {
    %c0_i32 = arith.constant 0 : i32
    %c0_i32_0 = arith.constant 0 : i32
    return %c0_i32 : i32
  }
  func.func @transform_4(%arg0: i32) -> (i32, i32) {
    %c0_i32 = arith.constant 0 : i32
    %c0_i32_0 = arith.constant 0 : i32
    %c0_i32_1 = arith.constant 0 : i32
    return %c0_i32, %c0_i32_0 : i32, i32
  }
  func.func @transform_5(%arg0: i32) -> (i32, i32, i32) {
    %c0_i32 = arith.constant 0 : i32
    %c0_i32_0 = arith.constant 0 : i32
    %c0_i32_1 = arith.constant 0 : i32
    return %c0_i32, %arg0, %c0_i32_0 : i32, i32, i32
  }
}

module attributes {stable_mosaic.version = 14 : i64} {
  func.func @_tc3_kernel(%arg0: i32, %arg1: memref<2x1024x64xf32, #tpu.memory_space<vmem>>, %arg2: memref<2x1024x64xf32, #tpu.memory_space<vmem>>, %arg3: memref<1024x1xf32, #tpu.memory_space<vmem>>, %arg4: memref<128xf32, #tpu.memory_space<vmem>>, %arg5: memref<1024x1xi32, #tpu.memory_space<vmem>>, %arg6: memref<128x128xf32, #tpu.memory_space<vmem>>, %arg7: memref<128xf32, #tpu.memory_space<vmem>>, %arg8: memref<128xf32, #tpu.memory_space<vmem>>, %arg9: memref<128xf32, #tpu.memory_space<vmem>>, %arg10: memref<128x1xf32, #tpu.memory_space<vmem>>, %arg11: memref<1xf32, #tpu.memory_space<vmem>>, %arg12: memref<16x1xf32, #tpu.memory_space<vmem>>, %arg13: memref<16x128xf32, #tpu.memory_space<vmem>>, %arg14: memref<1x16xf32, #tpu.memory_space<vmem>>) attributes {dimension_semantics = [#tpu.dimension_semantics<arbitrary>], iteration_bounds = array<i64: 10>, scalar_prefetch = 0 : i64, scratch_operands = 2 : i64, tpu.core_type = #tpu.core_type<tc>, window_params = [{transform_indices = @transform_0, window_bounds = array<i64: 2, 1024, 64>}, {transform_indices = @transform_1, window_bounds = array<i64: 2, 1024, 64>}, {transform_indices = @transform_2, window_bounds = array<i64: 1024, 1>}, {pipeline_mode = #tpu.pipeline_mode<synchronous>, transform_indices = @transform_3, window_bounds = array<i64: 128>}, {transform_indices = @transform_4, window_bounds = array<i64: 1024, 1>}, {pipeline_mode = #tpu.pipeline_mode<synchronous>, transform_indices = @transform_5, window_bounds = array<i64: 128, 128>}, {pipeline_mode = #tpu.pipeline_mode<synchronous>, transform_indices = @transform_6, window_bounds = array<i64: 128>}, {pipeline_mode = #tpu.pipeline_mode<synchronous>, transform_indices = @transform_7, window_bounds = array<i64: 128>}, {pipeline_mode = #tpu.pipeline_mode<synchronous>, transform_indices = @transform_8, window_bounds = array<i64: 128>}, {pipeline_mode = #tpu.pipeline_mode<synchronous>, transform_indices = @transform_9, window_bounds = array<i64: 128, 1>}, {pipeline_mode = #tpu.pipeline_mode<synchronous>, transform_indices = @transform_10, window_bounds = array<i64: 1>}, {pipeline_mode = #tpu.pipeline_mode<synchronous>, transform_indices = @transform_11, window_bounds = array<i64: 16, 1>}]} {
    %eq3A = arith.constant 0 : i32
    %eq3A_0 = arith.cmpi eq, %arg0, %eq3A : i32
    %convert_element_type3A = arith.extui %eq3A_0 : i1 to i32
    %cond3A = arith.constant 0 : i32
    %cond3A_1 = arith.cmpi ne, %convert_element_type3A, %cond3A : i32
    scf.if %cond3A_1 {
      %broadcast_in_dim3A_64 = arith.constant 0.000000e+00 : f32
      %broadcast_in_dim3A_65 = vector.broadcast %broadcast_in_dim3A_64 : f32 to vector<16x128xf32>
      %swap3A_66 = arith.constant 0 : index
      %swap3A_67 = arith.constant 0 : index
      %swap3A_68 = vector.load %arg13[%swap3A_66, %swap3A_67] : memref<16x128xf32, #tpu.memory_space<vmem>>, vector<16x128xf32>
      tpu.vector_store %arg13[%swap3A_66, %swap3A_67], %broadcast_in_dim3A_65 {strides = array<i32>} : memref<16x128xf32, #tpu.memory_space<vmem>>, vector<16x128xf32>,
      %broadcast_in_dim3A_69 = arith.constant 0.000000e+00 : f32
      %broadcast_in_dim3A_70 = vector.broadcast %broadcast_in_dim3A_69 : f32 to vector<1x16xf32>
      %swap3A_71 = arith.constant 0 : index
      %swap3A_72 = arith.constant 0 : index
      %swap3A_73 = vector.load %arg14[%swap3A_71, %swap3A_72] : memref<1x16xf32, #tpu.memory_space<vmem>>, vector<1x16xf32>
      tpu.vector_store %arg14[%swap3A_71, %swap3A_72], %broadcast_in_dim3A_70 {strides = array<i32>} : memref<1x16xf32, #tpu.memory_space<vmem>>, vector<1x16xf32>,
    } else {
    }
    %get3A = arith.constant 0 : index
    %get3A_2 = arith.constant 0 : index
    %get3A_3 = arith.constant 0 : index
    %get3A_4 = vector.load %arg1[%get3A, %get3A_2, %get3A_3] : memref<2x1024x64xf32, #tpu.memory_space<vmem>>, vector<1x1024x64xf32>
    %get3A_5 = vector.shape_cast %get3A_4 : vector<1x1024x64xf32> to vector<1024x64xf32>
    %get3A_6 = arith.constant 0 : index
    %get3A_7 = arith.constant 0 : index
    %get3A_8 = arith.constant 0 : index
    %get3A_9 = vector.load %arg2[%get3A_6, %get3A_7, %get3A_8] : memref<2x1024x64xf32, #tpu.memory_space<vmem>>, vector<1x1024x64xf32>
    %get3A_10 = vector.shape_cast %get3A_9 : vector<1x1024x64xf32> to vector<1024x64xf32>
    %add3A = arith.addf %get3A_5, %get3A_10 : vector<1024x64xf32>
    %get3A_11 = arith.constant 1 : index
    %get3A_12 = arith.constant 0 : index
    %get3A_13 = arith.constant 0 : index
    %get3A_14 = vector.load %arg1[%get3A_11, %get3A_12, %get3A_13] : memref<2x1024x64xf32, #tpu.memory_space<vmem>>, vector<1x1024x64xf32>
    %get3A_15 = vector.shape_cast %get3A_14 : vector<1x1024x64xf32> to vector<1024x64xf32>
    %get3A_16 = arith.constant 1 : index
    %get3A_17 = arith.constant 0 : index
    %get3A_18 = arith.constant 0 : index
    %get3A_19 = vector.load %arg2[%get3A_16, %get3A_17, %get3A_18] : memref<2x1024x64xf32, #tpu.memory_space<vmem>>, vector<1x1024x64xf32>
    %get3A_20 = vector.shape_cast %get3A_19 : vector<1x1024x64xf32> to vector<1024x64xf32>
    %add3A_21 = arith.addf %get3A_15, %get3A_20 : vector<1024x64xf32>
    %concatenate3A = tpu.concatenate %add3A, %add3A_21 in 1 : vector<1024x64xf32>, vector<1024x64xf32> -> vector<1024x128xf32>
    %get3A_22 = arith.constant 0 : index
    %get3A_23 = arith.constant 0 : index
    %get3A_24 = vector.load %arg3[%get3A_22, %get3A_23] : memref<1024x1xf32, #tpu.memory_space<vmem>>, vector<1024x1xf32>
    %mul3A = vector.broadcast %get3A_24 : vector<1024x1xf32> to vector<1024x128xf32>
    %mul3A_25 = arith.mulf %concatenate3A, %mul3A : vector<1024x128xf32>
    %get3A_26 = arith.constant 0 : index
    %get3A_27 = vector.load %arg4[%get3A_26] : memref<128xf32, #tpu.memory_space<vmem>>, vector<128xf32>
    %broadcast_in_dim3A = vector.shape_cast %get3A_27 : vector<128xf32> to vector<1x128xf32>
    %add3A_28 = vector.broadcast %broadcast_in_dim3A : vector<1x128xf32> to vector<1024x128xf32>
    %add3A_29 = arith.addf %mul3A_25, %add3A_28 : vector<1024x128xf32>
    %ge3A = arith.constant 0.000000e+00 : f32
    %ge3A_30 = vector.broadcast %ge3A : f32 to vector<1024x128xf32>
    %ge3A_31 = arith.cmpf oge, %add3A_29, %ge3A_30 : vector<1024x128xf32>
    %mul3A_32 = arith.constant 0.00999999977 : f32
    %mul3A_33 = vector.broadcast %mul3A_32 : f32 to vector<1024x128xf32>
    %mul3A_34 = arith.mulf %mul3A_33, %add3A_29 : vector<1024x128xf32>
    %select_n3A = arith.select %ge3A_31, %add3A_29, %mul3A_34 : vector<1024x128xi1>, vector<1024x128xf32>
    %get3A_35 = arith.constant 0 : index
    %get3A_36 = arith.constant 0 : index
    %get3A_37 = vector.load %arg5[%get3A_35, %get3A_36] : memref<1024x1xi32, #tpu.memory_space<vmem>>, vector<1024x1xi32>
    %iota3A = tpu.iota {dimensions = array<i32: 1>} : vector<1x16xi32>
    %eq3A_38 = vector.broadcast %get3A_37 : vector<1024x1xi32> to vector<1024x16xi32>
    %eq3A_39 = vector.broadcast %iota3A : vector<1x16xi32> to vector<1024x16xi32>
    %eq3A_40 = arith.cmpi eq, %eq3A_38, %eq3A_39 : vector<1024x16xi32>
    %convert_element_type3A_41 = arith.extui %eq3A_40 : vector<1024x16xi1> to vector<1024x16xi32>
    %convert_element_type3A_42 = arith.sitofp %convert_element_type3A_41 : vector<1024x16xi32> to vector<1024x16xf32>
    %get3A_43 = arith.constant 0 : index
    %get3A_44 = arith.constant 0 : index
    %get3A_45 = vector.load %arg13[%get3A_43, %get3A_44] : memref<16x128xf32, #tpu.memory_space<vmem>>, vector<16x128xf32>
    %dot_general3A = arith.constant dense<0.000000e+00> : vector<16x128xf32>
    %dot_general3A_46 = tpu.matmul %convert_element_type3A_42, %select_n3A, %dot_general3A {dimension_numbers = #tpu.dot_dimension_numbers<[0], [0], [1], [1], [0, 1, 1, 1], [], []>, precision = #tpu.contract_precision<fp32>, transpose_lhs_hint = false} : vector<1024x16xf32>, vector<1024x128xf32>, vector<16x128xf32> -> vector<16x128xf32>
    %add3A_47 = arith.addf %get3A_45, %dot_general3A_46 : vector<16x128xf32>
    %swap3A = arith.constant 0 : index
    %swap3A_48 = arith.constant 0 : index
    %swap3A_49 = vector.load %arg13[%swap3A, %swap3A_48] : memref<16x128xf32, #tpu.memory_space<vmem>>, vector<16x128xf32>
    tpu.vector_store %arg13[%swap3A, %swap3A_48], %add3A_47 {strides = array<i32>} : memref<16x128xf32, #tpu.memory_space<vmem>>, vector<16x128xf32>,
    %get3A_50 = arith.constant 0 : index
    %get3A_51 = arith.constant 0 : index
    %get3A_52 = vector.load %arg14[%get3A_50, %get3A_51] : memref<1x16xf32, #tpu.memory_space<vmem>>, vector<1x16xf32>
    %reduce_sum3A = arith.constant dense<0.000000e+00> : vector<16xf32>
    %reduce_sum3A_53 = vector.multi_reduction <add>, %convert_element_type3A_42, %reduce_sum3A [0] : vector<1024x16xf32> to vector<16xf32>
    %broadcast_in_dim3A_54 = vector.shape_cast %reduce_sum3A_53 : vector<16xf32> to vector<1x16xf32>
    %add3A_55 = arith.addf %get3A_52, %broadcast_in_dim3A_54 : vector<1x16xf32>
    %swap3A_56 = arith.constant 0 : index
    %swap3A_57 = arith.constant 0 : index
    %swap3A_58 = vector.load %arg14[%swap3A_56, %swap3A_57] : memref<1x16xf32, #tpu.memory_space<vmem>>, vector<1x16xf32>
    tpu.vector_store %arg14[%swap3A_56, %swap3A_57], %add3A_55 {strides = array<i32>} : memref<1x16xf32, #tpu.memory_space<vmem>>, vector<1x16xf32>,
    %eq3A_59 = arith.constant 9 : i32
    %eq3A_60 = arith.cmpi eq, %arg0, %eq3A_59 : i32
    %convert_element_type3A_61 = arith.extui %eq3A_60 : i1 to i32
    %cond3A_62 = arith.constant 0 : i32
    %cond3A_63 = arith.cmpi ne, %convert_element_type3A_61, %cond3A_62 : i32
    scf.if %cond3A_63 {
      %get3A_64 = arith.constant 0 : index
      %get3A_65 = arith.constant 0 : index
      %get3A_66 = vector.load %arg13[%get3A_64, %get3A_65] : memref<16x128xf32, #tpu.memory_space<vmem>>, vector<16x128xf32>
      %get3A_67 = arith.constant 0 : index
      %get3A_68 = arith.constant 0 : index
      %get3A_69 = vector.load %arg14[%get3A_67, %get3A_68] : memref<1x16xf32, #tpu.memory_space<vmem>>, vector<1x16xf32>
      %max3A = arith.constant 1.000000e+00 : f32
      %max3A_70 = vector.broadcast %max3A : f32 to vector<1x16xf32>
      %max3A_71 = arith.maximumf %get3A_69, %max3A_70 : vector<1x16xf32>
      %reshape3A = vector.shape_cast %max3A_71 : vector<1x16xf32> to vector<16x1xf32>
      %div3A = vector.broadcast %reshape3A : vector<16x1xf32> to vector<16x128xf32>
      %div3A_72 = arith.divf %get3A_66, %div3A : vector<16x128xf32>
      %get3A_73 = arith.constant 0 : index
      %get3A_74 = arith.constant 0 : index
      %get3A_75 = vector.load %arg6[%get3A_73, %get3A_74] : memref<128x128xf32, #tpu.memory_space<vmem>>, vector<128x128xf32>
      %dot_general3A_76 = arith.constant dense<0.000000e+00> : vector<16x128xf32>
      %dot_general3A_77 = tpu.matmul %div3A_72, %get3A_75, %dot_general3A_76 {dimension_numbers = #tpu.dot_dimension_numbers<[1], [0], [0], [1], [0, 0, 1, 1], [], []>, precision = #tpu.contract_precision<fp32>, transpose_lhs_hint = false} : vector<16x128xf32>, vector<128x128xf32>, vector<16x128xf32> -> vector<16x128xf32>
      %get3A_78 = arith.constant 0 : index
      %get3A_79 = vector.load %arg7[%get3A_78] : memref<128xf32, #tpu.memory_space<vmem>>, vector<128xf32>
      %broadcast_in_dim3A_80 = vector.shape_cast %get3A_79 : vector<128xf32> to vector<1x128xf32>
      %add3A_81 = vector.broadcast %broadcast_in_dim3A_80 : vector<1x128xf32> to vector<16x128xf32>
      %add3A_82 = arith.addf %dot_general3A_77, %add3A_81 : vector<16x128xf32>
      %ge3A_83 = arith.constant 0.000000e+00 : f32
      %ge3A_84 = vector.broadcast %ge3A_83 : f32 to vector<16x128xf32>
      %ge3A_85 = arith.cmpf oge, %add3A_82, %ge3A_84 : vector<16x128xf32>
      %mul3A_86 = arith.constant 0.00999999977 : f32
      %mul3A_87 = vector.broadcast %mul3A_86 : f32 to vector<16x128xf32>
      %mul3A_88 = arith.mulf %mul3A_87, %add3A_82 : vector<16x128xf32>
      %select_n3A_89 = arith.select %ge3A_85, %add3A_82, %mul3A_88 : vector<16x128xi1>, vector<16x128xf32>
      %reduce_sum3A_90 = arith.constant dense<0.000000e+00> : vector<16xf32>
      %reduce_sum3A_91 = vector.multi_reduction <add>, %select_n3A_89, %reduce_sum3A_90 [1] : vector<16x128xf32> to vector<16xf32>
      %broadcast_in_dim3A_92 = vector.shape_cast %reduce_sum3A_91 : vector<16xf32> to vector<16x1xf32>
      %div3A_93 = arith.constant 1.280000e+02 : f32
      %div3A_94 = vector.broadcast %div3A_93 : f32 to vector<16x1xf32>
      %div3A_95 = arith.divf %broadcast_in_dim3A_92, %div3A_94 : vector<16x1xf32>
      %sub3A = vector.broadcast %div3A_95 : vector<16x1xf32> to vector<16x128xf32>
      %sub3A_96 = arith.subf %select_n3A_89, %sub3A : vector<16x128xf32>
      %integer_pow3A = arith.mulf %sub3A_96, %sub3A_96 : vector<16x128xf32>
      %reduce_sum3A_97 = arith.constant dense<0.000000e+00> : vector<16xf32>
      %reduce_sum3A_98 = vector.multi_reduction <add>, %integer_pow3A, %reduce_sum3A_97 [1] : vector<16x128xf32> to vector<16xf32>
      %broadcast_in_dim3A_99 = vector.shape_cast %reduce_sum3A_98 : vector<16xf32> to vector<16x1xf32>
      %div3A_100 = arith.constant 1.280000e+02 : f32
      %div3A_101 = vector.broadcast %div3A_100 : f32 to vector<16x1xf32>
      %div3A_102 = arith.divf %broadcast_in_dim3A_99, %div3A_101 : vector<16x1xf32>
      %sub3A_103 = vector.broadcast %div3A_95 : vector<16x1xf32> to vector<16x128xf32>
      %sub3A_104 = arith.subf %select_n3A_89, %sub3A_103 : vector<16x128xf32>
      %add3A_105 = arith.constant 9.99999974E-6 : f32
      %add3A_106 = vector.broadcast %add3A_105 : f32 to vector<16x1xf32>
      %add3A_107 = arith.addf %div3A_102, %add3A_106 : vector<16x1xf32>
      %rsqrt3A = math.rsqrt %add3A_107 : vector<16x1xf32>
      %mul3A_108 = vector.broadcast %rsqrt3A : vector<16x1xf32> to vector<16x128xf32>
      %mul3A_109 = arith.mulf %sub3A_104, %mul3A_108 : vector<16x128xf32>
      %get3A_110 = arith.constant 0 : index
      %get3A_111 = vector.load %arg8[%get3A_110] : memref<128xf32, #tpu.memory_space<vmem>>, vector<128xf32>
      %broadcast_in_dim3A_112 = vector.shape_cast %get3A_111 : vector<128xf32> to vector<1x128xf32>
      %mul3A_113 = vector.broadcast %broadcast_in_dim3A_112 : vector<1x128xf32> to vector<16x128xf32>
      %mul3A_114 = arith.mulf %mul3A_109, %mul3A_113 : vector<16x128xf32>
      %get3A_115 = arith.constant 0 : index
      %get3A_116 = vector.load %arg9[%get3A_115] : memref<128xf32, #tpu.memory_space<vmem>>, vector<128xf32>
      %broadcast_in_dim3A_117 = vector.shape_cast %get3A_116 : vector<128xf32> to vector<1x128xf32>
      %add3A_118 = vector.broadcast %broadcast_in_dim3A_117 : vector<1x128xf32> to vector<16x128xf32>
      %add3A_119 = arith.addf %mul3A_114, %add3A_118 : vector<16x128xf32>
      %get3A_120 = arith.constant 0 : index
      %get3A_121 = arith.constant 0 : index
      %get3A_122 = vector.load %arg10[%get3A_120, %get3A_121] : memref<128x1xf32, #tpu.memory_space<vmem>>, vector<128x1xf32>
      %dot_general3A_123 = arith.constant dense<0.000000e+00> : vector<16x1xf32>
      %dot_general3A_124 = tpu.matmul %add3A_119, %get3A_122, %dot_general3A_123 {dimension_numbers = #tpu.dot_dimension_numbers<[1], [0], [0], [1], [0, 0, 1, 1], [], []>, precision = #tpu.contract_precision<fp32>, transpose_lhs_hint = false} : vector<16x128xf32>, vector<128x1xf32>, vector<16x1xf32> -> vector<16x1xf32>
      %get3A_125 = arith.constant 0 : index
      %get3A_126 = vector.load %arg11[%get3A_125] : memref<1xf32, #tpu.memory_space<vmem>>, vector<1xf32>
      %broadcast_in_dim3A_127 = vector.shape_cast %get3A_126 : vector<1xf32> to vector<1x1xf32>
      %add3A_128 = vector.broadcast %broadcast_in_dim3A_127 : vector<1x1xf32> to vector<16x1xf32>
      %add3A_129 = arith.addf %dot_general3A_124, %add3A_128 : vector<16x1xf32>
      %swap3A_130 = arith.constant 0 : index
      %swap3A_131 = arith.constant 0 : index
      %swap3A_132 = vector.load %arg12[%swap3A_130, %swap3A_131] : memref<16x1xf32, #tpu.memory_space<vmem>>, vector<16x1xf32>
      tpu.vector_store %arg12[%swap3A_130, %swap3A_131], %add3A_129 {strides = array<i32>} : memref<16x1xf32, #tpu.memory_space<vmem>>, vector<16x1xf32>,
    } else {
    }
    return
  }
  func.func @transform_0(%arg0: i32) -> (i32, i32, i32) {
    %c0_i32 = arith.constant 0 : i32
    %c0_i32_0 = arith.constant 0 : i32
    %c0_i32_1 = arith.constant 0 : i32
    return %c0_i32, %arg0, %c0_i32_0 : i32, i32, i32
  }
  func.func @transform_1(%arg0: i32) -> (i32, i32, i32) {
    %c0_i32 = arith.constant 0 : i32
    %c0_i32_0 = arith.constant 0 : i32
    %c0_i32_1 = arith.constant 0 : i32
    return %c0_i32, %arg0, %c0_i32_0 : i32, i32, i32
  }
  func.func @transform_2(%arg0: i32) -> (i32, i32) {
    %c0_i32 = arith.constant 0 : i32
    %c0_i32_0 = arith.constant 0 : i32
    return %arg0, %c0_i32 : i32, i32
  }
  func.func @transform_3(%arg0: i32) -> i32 {
    %c0_i32 = arith.constant 0 : i32
    %c0_i32_0 = arith.constant 0 : i32
    return %c0_i32 : i32
  }
  func.func @transform_4(%arg0: i32) -> (i32, i32) {
    %c0_i32 = arith.constant 0 : i32
    %c0_i32_0 = arith.constant 0 : i32
    return %arg0, %c0_i32 : i32, i32
  }
  func.func @transform_5(%arg0: i32) -> (i32, i32) {
    %c0_i32 = arith.constant 0 : i32
    %c0_i32_0 = arith.constant 0 : i32
    %c0_i32_1 = arith.constant 0 : i32
    return %c0_i32, %c0_i32_0 : i32, i32
  }
  func.func @transform_6(%arg0: i32) -> i32 {
    %c0_i32 = arith.constant 0 : i32
    %c0_i32_0 = arith.constant 0 : i32
    return %c0_i32 : i32
  }
  func.func @transform_7(%arg0: i32) -> i32 {
    %c0_i32 = arith.constant 0 : i32
    %c0_i32_0 = arith.constant 0 : i32
    return %c0_i32 : i32
  }
  func.func @transform_8(%arg0: i32) -> i32 {
    %c0_i32 = arith.constant 0 : i32
    %c0_i32_0 = arith.constant 0 : i32
    return %c0_i32 : i32
  }
  func.func @transform_9(%arg0: i32) -> (i32, i32) {
    %c0_i32 = arith.constant 0 : i32
    %c0_i32_0 = arith.constant 0 : i32
    %c0_i32_1 = arith.constant 0 : i32
    return %c0_i32, %c0_i32_0 : i32, i32
  }
  func.func @transform_10(%arg0: i32) -> i32 {
    %c0_i32 = arith.constant 0 : i32
    %c0_i32_0 = arith.constant 0 : i32
    return %c0_i32 : i32
  }
  func.func @transform_11(%arg0: i32) -> (i32, i32) {
    %c0_i32 = arith.constant 0 : i32
    %c0_i32_0 = arith.constant 0 : i32
    %c0_i32_1 = arith.constant 0 : i32
    return %c0_i32, %c0_i32_0 : i32, i32
  }
}

</mosaic_0001>

<sc_bundles>
// kernel: kernel.11.cloned.1.call-start
scs
__scs_entry_jumppad:
0x0: {  	(pc) =	sbr.rel $0x88, $3  }
0x1: {  	(tag) =	ssettag $0x0;
	lr =	simm.s32 $0x1  }
0x2: {  	[smem:$0x3F94] =	sst lr;
	_ =	strace $0xD0000000  }
0x3: {  	_ = 	snop  }
0x4: {  	_ = 	snop  }
0x5: {  	_ = 	snop  }
0x6: {  	_ = 	snop  }
0x7: {  	_ = 	snop  }
__scs_overlays_trampoline_lowered:
0x8: {  	[smem:$0x3FA3] =	sst s0  }
0x9: {  	[smem:$0x3FA4] =	sst s1  }
0xa: {  	[smem:$0x3FA5] =	sst s2  }
0xb: {  	[smem:$0x3FA6] =	sst s3  }
0xc: {  	[smem:$0x3FA7] =	sst s4  }
0xd: {  	[smem:$0x3FA8] =	sst s5  }
0xe: {  	[smem:$0x3FA9] =	sst s6  }
0xf: {  	[smem:$0x3FAA] =	sst s7  }
0x10: {  	[smem:$0x3FAB] =	sst s8  }
0x11: {  	[smem:$0x3FAC] =	sst s9;
	s0 =	simm.s32 @!p0 $0x0  }
0x12: {  	s1 =	sld [smem:$0x3F92];
	s0 =	simm.s32 @p0 $0x1  }
0x13: {  	[smem:$0x3FAD] =	sst s0;
	s0 =	simm.s32 @!p1 $0x0  }
0x14: {  	s2 =	sld [smem:$0x3F91];
	s0 =	simm.s32 @p1 $0x1  }
0x15: {  	[smem:$0x3FAE] =	sst s0;
	s0 =	simm.s32 @!p2 $0x0  }
0x16: {  	s3 =	sld [smem:$0x3FDB];
	s0 =	simm.s32 @p2 $0x1  }
0x17: {  	s4 =	simm.s32 $0x1BF5;
	[smem:$0x3FB0] =	sst s0  }
0x18: {  	s0 =	sld [smem:$0x3F93];
	_ =	swait.ge [sflag:s4], $0x0  }
0x19: {  	s7 =	sld [smem:$0x3F94]  }
0x1a: {  	s8 =	sadd.s32 $0xFFFFE003, lr  }
0x1b: {  	s9 =	sadd.s32 $0xFFFFFEF7, lr;
	s5 =	simm.s32 $0xFFFFFFFF;
	p2 =	slt.u32 s8, $0xFFFFF086  }
0x1c: {  	p1 =	slt.u32 s9, $0xF7A;
	s5 =	simm.s32 @!p2 $0x0  }
0x1d: {  	s5 =	simm.s32 @p1 $0x1;
	p0 =	seq.s32 s7, s2  }
0x1e: {  	s7 =	smul.u32 @!p0 $0xF7A, s2;
	p2 =	seq.s32 @!p0 s5, $0x0  }
0x1f: {  	s9 =	smul.u32 $0xF7A, s1;
	s8 =	simm.s32 @!p0 $0x1BF5;
	p2 =	por !p2, p0  }
0x20: {  	[sflag:s8] =	ssyncset.s32 @!p0 $0xFFFFF086;
	s6 =	sadd.s32 @!p0 s3, s7;
	s7 =	simm.s32 @!p0 $0x108  }
0x21: {  	s3 =	sadd.s32 s3, s9;
	s6 =	sadd.s32 @!p0 $0x88, s6;
	s7 =	simm.s32 @p2 $0x1082  }
0x22: {  	[simem:s7], [sflag:s8] =	dma.local @!p0 [hbm:s6], $0xF7A  }
0x23: {  	s9 =	sor.u32 $0xD0000000, s2;
	s6 =	simm.s32 $0x108;
	_ =	swait.ge @!p0 [sflag:s8], $0x0  }
0x24: {  	s3 =	sadd.s32 $0x88, s3;
	s6 =	simm.s32 @!p1 $0x1082;
	[sflag:s4] =	ssyncset.s32 $0xFFFFF086  }
0x25: {  	[simem:s6], [sflag:s4] =	dma.local [hbm:s3], $0xF7A  }
0x26: {  	[smem:$0x3F94] =	sst s1;
	(tag) =	ssettag s2;
	_ =	strace s9  }
0x27: {  	s1 =	sld [smem:$0x3FA4]  }
0x28: {  	s2 =	sld [smem:$0x3FA5]  }
0x29: {  	s4 =	sld [smem:$0x3FA7]  }
0x2a: {  	p0 =	seq.s32 s5, $0x0;
	s5 =	sld [smem:$0x3FA8]  }
0x2b: {  	s6 =	sld [smem:$0x3FA9]  }
0x2c: {  	s7 =	sld [smem:$0x3FAA]  }
0x2d: {  	s3 =	simm.s32 $0x108;
	s8 =	sld [smem:$0x3FAB]  }
0x2e: {  	s3 =	simm.s32 @!p0 $0x1082;
	s9 =	sld [smem:$0x3FAC]  }
0x2f: {  	lr =	sadd.s32 s0, s3;
	s0 =	sld [smem:$0x3FA3]  }
0x30: {  	s3 =	sld [smem:$0x3FA6]  }
0x31: {  	[smem:$0x3FAF] =	sst s10  }
0x32: {  	s10 =	sld [smem:$0x3FAD];
	_ =	sdelay $0x3  }
0x33: {  	p0 =	seq.s32 s10, $0x1;
	s10 =	sld [smem:$0x3FAF];
	_ =	sdelay $0x3  }
0x34: {  	[smem:$0x3FAF] =	sst s10  }
0x35: {  	s10 =	sld [smem:$0x3FAE];
	_ =	sdelay $0x3  }
0x36: {  	p1 =	seq.s32 s10, $0x1;
	s10 =	sld [smem:$0x3FAF];
	_ =	sdelay $0x3  }
0x37: {  	[smem:$0x3FAF] =	sst s10  }
0x38: {  	s10 =	sld [smem:$0x3FB0]  }
0x39: {  	_ = 	snop;
	(pc) =	sbr.ind lr, $3  }
0x3a: {  	_ = 	snop  }
0x3b: {  	_ = 	snop  }
0x3c: {  	p2 =	seq.s32 s10, $0x1;
	s10 =	sld [smem:$0x3FAF]  }
0x3d: {  	_ =	shalt  }
0x3e: {  	_ =	shalt  }
0x3f: {  	_ =	shalt  }
0x40: {  	_ =	shalt  }
0x41: {  	_ =	shalt  }
0x42: {  	_ =	shalt  }
0x43: {  	_ =	shalt  }
0x44: {  	_ =	shalt  }
0x45: {  	_ =	shalt  }
0x46: {  	_ =	shalt  }
0x47: {  	_ =	shalt  }
0x48: {  	_ =	shalt  }
0x49: {  	_ =	shalt  }
0x4a: {  	_ =	shalt  }
0x4b: {  	_ =	shalt  }
0x4c: {  	_ =	shalt  }
0x4d: {  	_ =	shalt  }
0x4e: {  	_ =	shalt  }
0x4f: {  	_ =	shalt  }
0x50: {  	_ =	shalt  }
0x51: {  	_ =	shalt  }
0x52: {  	_ =	shalt  }
0x53: {  	_ =	shalt  }
0x54: {  	_ =	shalt  }
0x55: {  	_ =	shalt  }
0x56: {  	_ =	shalt  }
0x57: {  	_ =	shalt  }
0x58: {  	_ =	shalt  }
0x59: {  	_ =	shalt  }
0x5a: {  	_ =	shalt  }
0x5b: {  	_ =	shalt  }
0x5c: {  	_ =	shalt  }
0x5d: {  	_ =	shalt  }
0x5e: {  	_ =	shalt  }
0x5f: {  	_ =	shalt  }
0x60: {  	_ =	shalt  }
0x61: {  	_ =	shalt  }
0x62: {  	_ =	shalt  }
0x63: {  	_ =	shalt  }
0x64: {  	_ =	shalt  }
0x65: {  	_ =	shalt  }
0x66: {  	_ =	shalt  }
0x67: {  	_ =	shalt  }
0x68: {  	_ =	shalt  }
0x69: {  	_ =	shalt  }
0x6a: {  	_ =	shalt  }
0x6b: {  	_ =	shalt  }
0x6c: {  	_ =	shalt  }
0x6d: {  	_ =	shalt  }
0x6e: {  	_ =	shalt  }
0x6f: {  	_ =	shalt  }
0x70: {  	_ =	shalt  }
0x71: {  	_ =	shalt  }
0x72: {  	_ =	shalt  }
0x73: {  	_ =	shalt  }
0x74: {  	_ =	shalt  }
0x75: {  	_ =	shalt  }
0x76: {  	_ =	shalt  }
0x77: {  	_ =	shalt  }
0x78: {  	_ =	shalt  }
0x79: {  	_ =	shalt  }
0x7a: {  	_ =	shalt  }
0x7b: {  	_ =	shalt  }
0x7c: {  	_ =	shalt  }
0x7d: {  	_ =	shalt  }
0x7e: {  	_ =	shalt  }
0x7f: {  	_ =	shalt  }
0x80: {  	_ =	shalt  }
0x81: {  	_ =	shalt  }
0x82: {  	_ =	shalt  }
0x83: {  	_ =	shalt  }
0x84: {  	_ =	shalt  }
0x85: {  	_ =	shalt  }
0x86: {  	_ =	shalt  }
0x87: {  	_ =	shalt  }
.Lfunc_end0:
.L_simem_size_0:
called_computation.1_lowered:
.L_overlay_start_0:
0x88: {  	s2 =	sld [smem:$0x3FD9]  }
0x89: {  	s3 =	sld [smem:$0x3FFE];
	_ =	sdelay $0x1  }
0x8a: {  	s1 =	srdreg.scid  }
0x8b: {  	s0 =	sand.u32 $0x1, s1  }
0x8c: {  	s16 =	sshll.u32 s0, $0xA;
	s2 =	sadd.s32 s3, s2  }
0x8d: {  	s2 =	sadd.s32 s2, s16  }
0x8e: {  	[smem:$0x3FBB] =	sst s2  }
0x8f: {  	_ = 	snop  }
0x90: {  	(tm) =	ssettm $0x1  }
0x91: {  	s17 =	sld [smem:$0x3FFB];
	_ =	sdelay $0x3  }
0x92: {  	_ =	strace s17  }
0x93: {  	s2 =	sld [smem:$0x3FFC];
	_ =	sdelay $0x3  }
0x94: {  	_ =	strace s2  }
0x95: {  	s2 =	sld [smem:$0x3FFD];
	_ =	sdelay $0x3  }
0x96: {  	_ =	strace s2  }
0x97: {  	_ =	strace $0x8FFFFFFF  }
0x98: {  	s18 =	sld [smem:$0x3FDB];
	_ =	sdelay $0x1  }
0x99: {  	s19 =	simm.s32 $_scs_section_size  }
0x9a: {  	s4 =	simm.s32 $_size__tile_overlayer_lowered;
	s5 =	simm.s32 $_tile_overlayer_lowered  }
0x9b: {  	s22 =	simm.s32 $0x1BFF;
	s21 =	sshll.u32 s5, $0x1;
	s2 =	sadd.s32 s19, s18  }
0x9c: {  	s6 =	simm.s32 $0x0;
	s20 =	sshll.u32 s4, $0x1;
	s4 =	sadd.s32 s21, s2  }
0x9d: {  	[timem:s6], [sflag:s22] =	dma.local [hbm:s4], s20  }
0x9e: {  	_ =	swait.ge [sflag:s22], s20  }
0x9f: {  	s3 =	ssub.s32 $0x0, s20;
	[sflag:s22] =	ssyncset.done $0x0  }
0xa0: {  	[sflag:s22] =	ssyncadd.s32 s3;
	_ =	sdelay $0x1  }
0xa1: {  	s23 =	simm.s32 $0x1B8B  }
0xa2: {  	_ =	swait.ge [sflag:s23], $0x1  }
0xa3: {  	[sflag:s23] =	ssyncset.done $0x0  }
0xa4: {  	s25 =	simm.s32 $0x1B8E;
	s24 =	sld [smem:$0x3FFE];
	[sflag:s23] =	ssyncadd.s32 $0xFFFFFFFF  }
0xa5: {  	s26 =	simm.s32 $execute0_lowered;
	[smem:$0x3FD2] =	sst s25  }
0xa6: {  	s4 =	sshll.u32 s26, $0x1;
	_ =	strace $0x80000049;
	[dreg:$0x1] =	wrdreg $0xFFFFFFFF  }
0xa7: {  	s28 =	simm.s32 $_size_execute0_lowered;
	s2 =	sadd.s32 s2, s4;
	[dreg:$0x0] =	wrdreg $0x0  }
0xa8: {  	s4 =	sshll.u32 s28, $0x1;
	[dreg:$0x2] =	wrdreg s2  }
0xa9: {  	[dreg:$0x3] =	wrdreg s4  }
0xaa: {  	[dreg:$0x4] =	wrdreg $0xC0  }
0xab: {  	_ =	task [dreg:s6], $0x5FFFF  }
0xac: {  	[dreg:$0x1] =	wrdreg $0xFFFFFFFF  }
0xad: {  	[dreg:$0x0] =	wrdreg $0x60  }
0xae: {  	[dreg:$0x2] =	wrdreg s24  }
0xaf: {  	[dreg:$0x3] =	wrdreg $0xE0000  }
0xb0: {  	[dreg:$0x4] =	wrdreg $0x9  }
0xb1: {  	_ =	task.clear_ibuf [dreg:s6], $0x5FFFF;
	_ =	strace $0x90000049  }
0xb2: {  	s29 =	simm.s32 $0x9;
	_ =	strace $0x8000004B  }
0xb3: {  	_ =	swait.ge [sflag:s29], $0x1  }
0xb4: {  	[sflag:s29] =	ssyncadd.s32 $0xFFFFFFFF  }
0xb5: {  	_ =	strace $0x9000004B  }
0xb6: {  	_ =	sfence  }
0xb7: {  	s30 =	sld [smem:$0x0];
	_ =	sdelay $0x2  }
0xb8: {  	s31 =	sshll.u32 s1, $0xD;
	s1 =	sshrl.u32 s1, $0x2  }
0xb9: {  	s3 =	sand.u32 $0x4000, s31;
	s1 =	sadd.s32 s1, s30  }
0xba: {  	s0 =	sor.u32 s3, s0;
	s1 =	sshll.u32 s1, $0x11  }
0xbb: {  	s0 =	sor.u32 s1, s0  }
0xbc: {  	s0 =	sadd.s32 $0x8F2B, s0  }
0xbd: {  	[sflag:s0] =	ssyncadd.remote.s32 $0x1  }
0xbe: {  	_ =	sfence.sel $0xFFFF  }
0xbf: {  	[dreg:$0x0] =	wrdreg $0xFFFFFFFF;
	(pc) =	sbr.abs _section_cstart, $3  }
0xc0: {  	[dreg:$0x1] =	wrdreg $0xFFFFFFFF  }
0xc1: {  	_ =	task.clear_ibuf [dreg:s6], $0x2FFFF;
	_ =	strace $0x9FFFFFFF  }
0xc2: {  	(tm) =	ssettm $0x7FFFFFFF  }
0xc3: {  	_ =	shalt  }
tec
execute0_lowered:
.L_overlay_start_1:
0x0: {  	(tag) =	ssettag $0x1  }
0x1: {  	s5 =	rddreg [dreg:$0x0]  }
0x2: {  	s2 =	rddreg [dreg:$0x1]  }
0x3: {  	s0 =	rddreg [dreg:$0x2];
	s1 =	stileid.u32  }
0x4: {  	s4 =	srdreg.scid;
	s3 =	simm.s32 $0x0;
	s16 =	simm.s32 $0xA000  }
0x5: {  	s17 =	simm.s32 $0x80;
	s18 =	simm.s32 $0xC000;
	s19 =	simm.s32 $0x1  }
0x6: {  	s20 =	simm.s32 $0x2;
	s21 =	simm.s32 $0x9F00;
	s6 =	smul.u32 $0xA00, s1  }
0x7: {  	s22 =	simm.s32 $0x9F80;
	s7 =	sand.u32 $0x1, s4;
	s9 =	smul.u32 $0x28000, s1  }
0x8: {  	[smem:$0x7FF] =	sst s3;
	s4 =	sadd.s32 $0xCA00, s5;
	s14 =	smul.u32 $0xA000, s1  }
0x9: {  	s8 =	smul.u32 $0x14000, s7;
	_ =	strace $0x8000004A;
	s30 =	ssub.s32 $0x2, s7  }
0xa: {  	s6 =	sadd.s32 s6, s5;
	s7 =	sshrl.u32 s30, $0x1;
	s31 =	sshrl.u32 s9, $0x2  }
0xb: {  	s24 =	sshrl.u32 s14, $0x3;
	s13 =	sadd.s32 s8, s5;
	s15 =	ssub.s32 s30, s7  }
0xc: {  	s5 =	sadd.s32 $0x35200, s6;
	s11 =	sadd.s32 s31, s2;
	s6 =	sadd.s32 $0x2A00, s6  }
0xd: {  	s7 =	sadd.s32 s14, s2;
	s14 =	simm.s32 $0x3;
	s8 =	sadd.s32 $0x2000, s11  }
0xe: {  	s9 =	sadd.s32 $0x4000, s11;
	s10 =	sadd.s32 $0x6000, s11;
	s11 =	sadd.s32 $0x8000, s11  }
0xf: {  	s12 =	sadd.s32 $0x8F200, s13;
	s23 =	sadd.s32 $0xB7200, s13;
	s13 =	smax.u32 s15, $0x1  }
0x10: {  	s15 =	simm.s32 $0x5000;
	s23 =	sadd.s32 s24, s23;
	s24 =	simm.s32 $0x0  }
.LBB2_1:
0x11: {  	[tilespmem:s3], [sflag:$0x3] =	stream.linear.gather [hbm4b:s5+s3], $0x5000, $0x38;
	[tilespmem:$0x18000] =	vst v63  }
0x12: {  	_ =	swait.ge [sflag:s14], $0x5000  }
0x13: {  	[sflag:s14] =	ssyncset.done $0x0  }
0x14: {  	[sflag:s14] =	ssyncadd.s32 $0xFFFFB000  }
0x15: {  	[tilespmem:s15], [sflag:$0x3] =	stream.linear.gather [hbm4b:s6+s3], $0x5000, $0x38;
	[tilespmem:$0x18000] =	vst v63  }
0x16: {  	_ =	swait.ge [sflag:s14], $0x5000  }
0x17: {  	[sflag:s14] =	ssyncset.done $0x0  }
0x18: {  	[sflag:s14] =	ssyncadd.s32 $0xFFFFB000  }
0x19: {  	[tilespmem:s16], [sflag:$0x3] =	stream.linear.gather [hbm4b:s4+s3], $0x2000, $0x38;
	[tilespmem:$0x18000] =	vst v63  }
0x1a: {  	_ =	swait.ge [sflag:s14], $0x2000  }
0x1b: {  	[sflag:s14] =	ssyncset.done $0x0  }
0x1c: {  	[sflag:s14] =	ssyncadd.s32 $0xFFFFE000  }
0x1d: {  	[spmem:s7] =	stream.linear.scatter [tilespmem:s16], [sflag:$0x3], $0x2000, $0x38;
	[tilespmem:$0x18000] =	vst v63  }
0x1e: {  	_ =	swait.ge [sflag:s14], $0x2000  }
0x1f: {  	[sflag:s14] =	ssyncset.done $0x0  }
0x20: {  	[sflag:s14] =	ssyncadd.s32 $0xFFFFE000  }
0x21: {  	[spmem:s8] =	stream.linear.scatter [tilespmem:s16], [sflag:$0x3], $0x2000, $0x38;
	[tilespmem:$0x18000] =	vst v63  }
0x22: {  	_ =	swait.ge [sflag:s14], $0x2000  }
0x23: {  	[sflag:s14] =	ssyncset.done $0x0  }
0x24: {  	[sflag:s14] =	ssyncadd.s32 $0xFFFFE000  }
0x25: {  	[spmem:s9] =	stream.linear.scatter [tilespmem:s16], [sflag:$0x3], $0x2000, $0x38;
	[tilespmem:$0x18000] =	vst v63  }
0x26: {  	_ =	swait.ge [sflag:s14], $0x2000  }
0x27: {  	[sflag:s14] =	ssyncset.done $0x0  }
0x28: {  	[sflag:s14] =	ssyncadd.s32 $0xFFFFE000  }
0x29: {  	[spmem:s10] =	stream.linear.scatter [tilespmem:s16], [sflag:$0x3], $0x2000, $0x38;
	[tilespmem:$0x18000] =	vst v63  }
0x2a: {  	_ =	swait.ge [sflag:s14], $0x2000  }
0x2b: {  	[sflag:s14] =	ssyncset.done $0x0  }
0x2c: {  	[sflag:s14] =	ssyncadd.s32 $0xFFFFE000  }
0x2d: {  	[spmem:s11] =	stream.linear.scatter [tilespmem:s16], [sflag:$0x3], $0x2000, $0x38;
	[tilespmem:$0x18000] =	vst v63  }
0x2e: {  	_ =	swait.ge [sflag:s14], $0x2000  }
0x2f: {  	[sflag:s14] =	ssyncset.done $0x0  }
0x30: {  	[sflag:s14] =	ssyncadd.s32 $0xFFFFE000  }
0x31: {  	[bflag:$0x0] =	sbarrier.arrive $0xFFFF  }
0x32: {  	[tilespmem:s16], [sflag:$0x1] =	stream.indirect.gather [hbm4b:s12+s17], $0x40, s3, s17, $0xb8;
	[tilespmem:$0x18000] =	vst v63  }
0x33: {  	_ = 	snop  }
0x34: {  	[tilespmem:s18], [sflag:$0x2] =	stream.indirect.gather [hbm4b:s12+s17], $0x40, s17, s17, $0xb8;
	[tilespmem:$0x18000] =	vst v63  }
0x35: {  	_ =	swait.ge [sflag:s19], $0x2000  }
0x36: {  	[sflag:s19] =	ssyncset.done $0x0  }
0x37: {  	s25 =	simm.s32 $0x5000;
	[sflag:s19] =	ssyncadd.s32 $0xFFFFE000  }
0x38: {  	[spmem:s2] =	stream.indirect.scatter.add.f32 [tilespmem:s16], [sflag:$0x3], $0x40, s25, s17, $0xb8;
	[tilespmem:$0x18000] =	vst v63  }
0x39: {  	_ =	swait.ge [sflag:s14], $0x2000  }
0x3a: {  	[sflag:s14] =	ssyncset.done $0x0  }
0x3b: {  	s30 =	simm.s32 $0x100;
	[sflag:s14] =	ssyncadd.s32 $0xFFFFE000  }
0x3c: {  	[tilespmem:s16], [sflag:$0x1] =	stream.indirect.gather [hbm4b:s12+s17], $0x40, s30, s17, $0xb8;
	[tilespmem:$0x18000] =	vst v63  }
0x3d: {  	_ =	swait.ge [sflag:s20], $0x2000  }
0x3e: {  	[sflag:s20] =	ssyncset.done $0x0  }
0x3f: {  	s31 =	simm.s32 $0x5080;
	[sflag:s20] =	ssyncadd.s32 $0xFFFFE000  }
0x40: {  	[spmem:s2] =	stream.indirect.scatter.add.f32 [tilespmem:s18], [sflag:$0x3], $0x40, s31, s17, $0xb8;
	[tilespmem:$0x18000] =	vst v63  }
0x41: {  	_ =	swait.ge [sflag:s14], $0x2000  }
0x42: {  	[sflag:s14] =	ssyncset.done $0x0  }
0x43: {  	s26 =	simm.s32 $0x180;
	s25 =	simm.s32 $0x400;
	[sflag:s14] =	ssyncadd.s32 $0xFFFFE000  }
.LBB2_2:
0x44: {  	[tilespmem:s18], [sflag:$0x2] =	stream.indirect.gather [hbm4b:s12+s17], $0x40, s26, s17, $0xb8;
	[tilespmem:$0x18000] =	vst v63  }
0x45: {  	s26 =	smov.u32 s25  }
0x46: {  	p0 =	sne.s32 s25, $0x13800;
	s25 =	sadd.s32 $0x400, s25;
	_ =	swait.ge [sflag:s19], $0x2000  }
0x47: {  	s26 =	sshra.s32 s26, $0x2;
	[sflag:s19] =	ssyncset.done $0x0  }
0x48: {  	s28 =	sadd.s32 $0x5000, s26;
	[sflag:s19] =	ssyncadd.s32 $0xFFFFE000  }
0x49: {  	[spmem:s2] =	stream.indirect.scatter.add.f32 [tilespmem:s16], [sflag:$0x3], $0x40, s28, s17, $0xb8;
	[tilespmem:$0x18000] =	vst v63  }
0x4a: {  	_ =	swait.ge [sflag:s14], $0x2000  }
0x4b: {  	[sflag:s14] =	ssyncset.done $0x0  }
0x4c: {  	s28 =	sadd.s32 $0x100, s26;
	[sflag:s14] =	ssyncadd.s32 $0xFFFFE000  }
0x4d: {  	[tilespmem:s16], [sflag:$0x1] =	stream.indirect.gather [hbm4b:s12+s17], $0x40, s28, s17, $0xb8;
	[tilespmem:$0x18000] =	vst v63  }
0x4e: {  	_ =	swait.ge [sflag:s20], $0x2000  }
0x4f: {  	[sflag:s20] =	ssyncset.done $0x0  }
.Ltmp0:
0x50: {  	s28 =	sadd.s32 $0x5080, s26;
	[sflag:s20] =	ssyncadd.s32 $0xFFFFE000;
	(pc) =	sbr.rel @p0 .LBB2_2-.Ltmp0, $4  }
0x51: {  	[spmem:s2] =	stream.indirect.scatter.add.f32 [tilespmem:s18], [sflag:$0x3], $0x40, s28, s17, $0xb8;
	[tilespmem:$0x18000] =	vst v63  }
0x52: {  	_ =	swait.ge [sflag:s14], $0x2000  }
0x53: {  	[sflag:s14] =	ssyncset.done $0x0  }
0x54: {  	s26 =	sadd.s32 $0x180, s26;
	[sflag:s14] =	ssyncadd.s32 $0xFFFFE000  }
0x55: {  	[tilespmem:s18], [sflag:$0x2] =	stream.indirect.gather [hbm4b:s12+s17], $0x40, s26, s17, $0xb8;
	[tilespmem:$0x18000] =	vst v63  }
0x56: {  	_ =	swait.ge [sflag:s19], $0x2000  }
0x57: {  	[sflag:s19] =	ssyncset.done $0x0  }
0x58: {  	[sflag:s19] =	ssyncadd.s32 $0xFFFFE000  }
0x59: {  	[spmem:s2] =	stream.indirect.scatter.add.f32 [tilespmem:s16], [sflag:$0x3], $0x40, s21, s17, $0xb8;
	[tilespmem:$0x18000] =	vst v63  }
0x5a: {  	_ =	swait.ge [sflag:s14], $0x2000  }
0x5b: {  	[sflag:s14] =	ssyncset.done $0x0  }
0x5c: {  	[sflag:s14] =	ssyncadd.s32 $0xFFFFE000  }
0x5d: {  	_ =	swait.ge [sflag:s20], $0x2000  }
0x5e: {  	[sflag:s20] =	ssyncset.done $0x0  }
0x5f: {  	[sflag:s20] =	ssyncadd.s32 $0xFFFFE000  }
0x60: {  	[spmem:s2] =	stream.indirect.scatter.add.f32 [tilespmem:s18], [sflag:$0x3], $0x40, s22, s17, $0xb8;
	[tilespmem:$0x18000] =	vst v63  }
0x61: {  	_ =	swait.ge [sflag:s14], $0x2000  }
0x62: {  	s25 =	sshll.u32 s1, $0x6;
	s24 =	sadd.s32 $0x1, s24;
	[sflag:s14] =	ssyncset.done $0x0  }
0x63: {  	s31 =	sshrl.u32 s7, $0x3;
	p0 =	sne.s32 s24, s13;
	[sflag:s14] =	ssyncadd.s32 $0xFFFFE000  }
.Ltmp1:
0x64: {  	s25 =	sor.u32 $0x1C03, s25;
	[bflag:$0x0] =	sbarrier.arrive $0xFFFF;
	(pc) =	sbr.rel @p0 .LBB2_1-.Ltmp1, $4  }
0x65: {  	[hbm:s23], [sflag:s25] =	dma.local [spmem:s31], $0x1400  }
0x66: {  	_ =	swait.ge [sflag:s14], $0x1400  }
0x67: {  	[sflag:s14] =	ssyncset.done $0x0  }
0x68: {  	[sflag:s14] =	ssyncadd.s32 $0xFFFFEC00  }
0x69: {  	_ =	sfence.sel $0x180000  }
0x6a: {  	[bflag:$0x0] =	sbarrier.arrive $0xFFFF  }
0x6b: {  	p0 =	sne.s32 s1, $0x0;
	_ =	strace $0x9000004A  }
0x6c: {  	s0 =	sadd.s32 @!p0 $0x100000, s0;
	[bflag:$0x2] =	sbarrier.arrive $0xFFFF  }
0x6d: {  	[sflag:s0] =	ssyncadd.tile.s32 @!p0 $0x1;
	_ =	shalt  }
.Lfunc_end2:
_tile_overlayer_lowered:
.L_overlay_start_2:
0x6e: {  	(tag) =	ssettag $0x2  }
0x6f: {  	s0 =	rddreg [dreg:$0x0];
	s2 =	stileid.u32  }
0x70: {  	s1 =	rddreg [dreg:$0x1];
	p0 =	sne.s32 s2, $0x0  }
0x71: {  	s3 =	rddreg [dreg:$0x2];
	[bflag:$0x3] =	sbarrier.arrive $0xFFFF;
	s2 =	simm.s32 @!p0 $0x1C03  }
0x72: {  	[timem:s3], [sflag:s2] =	dma.local @!p0 [hbm:s0], s1  }
0x73: {  	s0 =	simm.s32 @!p0 $0x3  }
0x74: {  	_ =	swait.ge @!p0 [sflag:s0], s1  }
0x75: {  	s1 =	ssub.s32 @!p0 $0x0, s1;
	[sflag:s0] =	ssyncset.done @!p0 $0x0  }
0x76: {  	[sflag:s0] =	ssyncadd.s32 @!p0 s1  }
0x77: {  	[bflag:$0x3] =	sbarrier.arrive $0xFFFF  }
0x78: {  	_ =	shalt  }

// kernel: kernel.14.cloned.1.call-start
scs
__scs_entry_jumppad:
0x0: {  	(pc) =	sbr.rel $0x88, $3  }
0x1: {  	(tag) =	ssettag $0x0;
	lr =	simm.s32 $0x1  }
0x2: {  	[smem:$0x3F94] =	sst lr;
	_ =	strace $0xD0000000  }
0x3: {  	_ = 	snop  }
0x4: {  	_ = 	snop  }
0x5: {  	_ = 	snop  }
0x6: {  	_ = 	snop  }
0x7: {  	_ = 	snop  }
__scs_overlays_trampoline_lowered:
0x8: {  	[smem:$0x3FA3] =	sst s0  }
0x9: {  	[smem:$0x3FA4] =	sst s1  }
0xa: {  	[smem:$0x3FA5] =	sst s2  }
0xb: {  	[smem:$0x3FA6] =	sst s3  }
0xc: {  	[smem:$0x3FA7] =	sst s4  }
0xd: {  	[smem:$0x3FA8] =	sst s5  }
0xe: {  	[smem:$0x3FA9] =	sst s6  }
0xf: {  	[smem:$0x3FAA] =	sst s7  }
0x10: {  	[smem:$0x3FAB] =	sst s8  }
0x11: {  	[smem:$0x3FAC] =	sst s9;
	s0 =	simm.s32 @!p0 $0x0  }
0x12: {  	s1 =	sld [smem:$0x3F92];
	s0 =	simm.s32 @p0 $0x1  }
0x13: {  	[smem:$0x3FAD] =	sst s0;
	s0 =	simm.s32 @!p1 $0x0  }
0x14: {  	s2 =	sld [smem:$0x3F91];
	s0 =	simm.s32 @p1 $0x1  }
0x15: {  	[smem:$0x3FAE] =	sst s0;
	s0 =	simm.s32 @!p2 $0x0  }
0x16: {  	s3 =	sld [smem:$0x3FDB];
	s0 =	simm.s32 @p2 $0x1  }
0x17: {  	s4 =	simm.s32 $0x1BF5;
	[smem:$0x3FB0] =	sst s0  }
0x18: {  	s0 =	sld [smem:$0x3F93];
	_ =	swait.ge [sflag:s4], $0x0  }
0x19: {  	s7 =	sld [smem:$0x3F94]  }
0x1a: {  	s8 =	sadd.s32 $0xFFFFE003, lr  }
0x1b: {  	s9 =	sadd.s32 $0xFFFFFEF7, lr;
	s5 =	simm.s32 $0xFFFFFFFF;
	p2 =	slt.u32 s8, $0xFFFFF086  }
0x1c: {  	p1 =	slt.u32 s9, $0xF7A;
	s5 =	simm.s32 @!p2 $0x0  }
0x1d: {  	s5 =	simm.s32 @p1 $0x1;
	p0 =	seq.s32 s7, s2  }
0x1e: {  	s7 =	smul.u32 @!p0 $0xF7A, s2;
	p2 =	seq.s32 @!p0 s5, $0x0  }
0x1f: {  	s9 =	smul.u32 $0xF7A, s1;
	s8 =	simm.s32 @!p0 $0x1BF5;
	p2 =	por !p2, p0  }
0x20: {  	[sflag:s8] =	ssyncset.s32 @!p0 $0xFFFFF086;
	s6 =	sadd.s32 @!p0 s3, s7;
	s7 =	simm.s32 @!p0 $0x108  }
0x21: {  	s3 =	sadd.s32 s3, s9;
	s6 =	sadd.s32 @!p0 $0x88, s6;
	s7 =	simm.s32 @p2 $0x1082  }
0x22: {  	[simem:s7], [sflag:s8] =	dma.local @!p0 [hbm:s6], $0xF7A  }
0x23: {  	s9 =	sor.u32 $0xD0000000, s2;
	s6 =	simm.s32 $0x108;
	_ =	swait.ge @!p0 [sflag:s8], $0x0  }
0x24: {  	s3 =	sadd.s32 $0x88, s3;
	s6 =	simm.s32 @!p1 $0x1082;
	[sflag:s4] =	ssyncset.s32 $0xFFFFF086  }
0x25: {  	[simem:s6], [sflag:s4] =	dma.local [hbm:s3], $0xF7A  }
0x26: {  	[smem:$0x3F94] =	sst s1;
	(tag) =	ssettag s2;
	_ =	strace s9  }
0x27: {  	s1 =	sld [smem:$0x3FA4]  }
0x28: {  	s2 =	sld [smem:$0x3FA5]  }
0x29: {  	s4 =	sld [smem:$0x3FA7]  }
0x2a: {  	p0 =	seq.s32 s5, $0x0;
	s5 =	sld [smem:$0x3FA8]  }
0x2b: {  	s6 =	sld [smem:$0x3FA9]  }
0x2c: {  	s7 =	sld [smem:$0x3FAA]  }
0x2d: {  	s3 =	simm.s32 $0x108;
	s8 =	sld [smem:$0x3FAB]  }
0x2e: {  	s3 =	simm.s32 @!p0 $0x1082;
	s9 =	sld [smem:$0x3FAC]  }
0x2f: {  	lr =	sadd.s32 s0, s3;
	s0 =	sld [smem:$0x3FA3]  }
0x30: {  	s3 =	sld [smem:$0x3FA6]  }
0x31: {  	[smem:$0x3FAF] =	sst s10  }
0x32: {  	s10 =	sld [smem:$0x3FAD];
	_ =	sdelay $0x3  }
0x33: {  	p0 =	seq.s32 s10, $0x1;
	s10 =	sld [smem:$0x3FAF];
	_ =	sdelay $0x3  }
0x34: {  	[smem:$0x3FAF] =	sst s10  }
0x35: {  	s10 =	sld [smem:$0x3FAE];
	_ =	sdelay $0x3  }
0x36: {  	p1 =	seq.s32 s10, $0x1;
	s10 =	sld [smem:$0x3FAF];
	_ =	sdelay $0x3  }
0x37: {  	[smem:$0x3FAF] =	sst s10  }
0x38: {  	s10 =	sld [smem:$0x3FB0]  }
0x39: {  	_ = 	snop;
	(pc) =	sbr.ind lr, $3  }
0x3a: {  	_ = 	snop  }
0x3b: {  	_ = 	snop  }
0x3c: {  	p2 =	seq.s32 s10, $0x1;
	s10 =	sld [smem:$0x3FAF]  }
0x3d: {  	_ =	shalt  }
0x3e: {  	_ =	shalt  }
0x3f: {  	_ =	shalt  }
0x40: {  	_ =	shalt  }
0x41: {  	_ =	shalt  }
0x42: {  	_ =	shalt  }
0x43: {  	_ =	shalt  }
0x44: {  	_ =	shalt  }
0x45: {  	_ =	shalt  }
0x46: {  	_ =	shalt  }
0x47: {  	_ =	shalt  }
0x48: {  	_ =	shalt  }
0x49: {  	_ =	shalt  }
0x4a: {  	_ =	shalt  }
0x4b: {  	_ =	shalt  }
0x4c: {  	_ =	shalt  }
0x4d: {  	_ =	shalt  }
0x4e: {  	_ =	shalt  }
0x4f: {  	_ =	shalt  }
0x50: {  	_ =	shalt  }
0x51: {  	_ =	shalt  }
0x52: {  	_ =	shalt  }
0x53: {  	_ =	shalt  }
0x54: {  	_ =	shalt  }
0x55: {  	_ =	shalt  }
0x56: {  	_ =	shalt  }
0x57: {  	_ =	shalt  }
0x58: {  	_ =	shalt  }
0x59: {  	_ =	shalt  }
0x5a: {  	_ =	shalt  }
0x5b: {  	_ =	shalt  }
0x5c: {  	_ =	shalt  }
0x5d: {  	_ =	shalt  }
0x5e: {  	_ =	shalt  }
0x5f: {  	_ =	shalt  }
0x60: {  	_ =	shalt  }
0x61: {  	_ =	shalt  }
0x62: {  	_ =	shalt  }
0x63: {  	_ =	shalt  }
0x64: {  	_ =	shalt  }
0x65: {  	_ =	shalt  }
0x66: {  	_ =	shalt  }
0x67: {  	_ =	shalt  }
0x68: {  	_ =	shalt  }
0x69: {  	_ =	shalt  }
0x6a: {  	_ =	shalt  }
0x6b: {  	_ =	shalt  }
0x6c: {  	_ =	shalt  }
0x6d: {  	_ =	shalt  }
0x6e: {  	_ =	shalt  }
0x6f: {  	_ =	shalt  }
0x70: {  	_ =	shalt  }
0x71: {  	_ =	shalt  }
0x72: {  	_ =	shalt  }
0x73: {  	_ =	shalt  }
0x74: {  	_ =	shalt  }
0x75: {  	_ =	shalt  }
0x76: {  	_ =	shalt  }
0x77: {  	_ =	shalt  }
0x78: {  	_ =	shalt  }
0x79: {  	_ =	shalt  }
0x7a: {  	_ =	shalt  }
0x7b: {  	_ =	shalt  }
0x7c: {  	_ =	shalt  }
0x7d: {  	_ =	shalt  }
0x7e: {  	_ =	shalt  }
0x7f: {  	_ =	shalt  }
0x80: {  	_ =	shalt  }
0x81: {  	_ =	shalt  }
0x82: {  	_ =	shalt  }
0x83: {  	_ =	shalt  }
0x84: {  	_ =	shalt  }
0x85: {  	_ =	shalt  }
0x86: {  	_ =	shalt  }
0x87: {  	_ =	shalt  }
.Lfunc_end0:
.L_simem_size_0:
called_computation.2_lowered:
.L_overlay_start_0:
0x88: {  	s2 =	sld [smem:$0x3FD9]  }
0x89: {  	s3 =	sld [smem:$0x3FFE];
	_ =	sdelay $0x1  }
0x8a: {  	s1 =	srdreg.scid  }
0x8b: {  	s0 =	sand.u32 $0x1, s1  }
0x8c: {  	s16 =	sshll.u32 s0, $0xA;
	s2 =	sadd.s32 s3, s2  }
0x8d: {  	s2 =	sadd.s32 s2, s16  }
0x8e: {  	[smem:$0x3FBB] =	sst s2  }
0x8f: {  	_ = 	snop  }
0x90: {  	(tm) =	ssettm $0x1  }
0x91: {  	s17 =	sld [smem:$0x3FFB];
	_ =	sdelay $0x3  }
0x92: {  	_ =	strace s17  }
0x93: {  	s2 =	sld [smem:$0x3FFC];
	_ =	sdelay $0x3  }
0x94: {  	_ =	strace s2  }
0x95: {  	s2 =	sld [smem:$0x3FFD];
	_ =	sdelay $0x3  }
0x96: {  	_ =	strace s2  }
0x97: {  	_ =	strace $0x8FFFFFFF  }
0x98: {  	s18 =	sld [smem:$0x3FDB];
	_ =	sdelay $0x1  }
0x99: {  	s19 =	simm.s32 $_scs_section_size  }
0x9a: {  	s4 =	simm.s32 $_size__tile_overlayer_lowered;
	s5 =	simm.s32 $_tile_overlayer_lowered  }
0x9b: {  	s22 =	simm.s32 $0x1BFF;
	s21 =	sshll.u32 s5, $0x1;
	s2 =	sadd.s32 s19, s18  }
0x9c: {  	s6 =	simm.s32 $0x0;
	s20 =	sshll.u32 s4, $0x1;
	s4 =	sadd.s32 s21, s2  }
0x9d: {  	[timem:s6], [sflag:s22] =	dma.local [hbm:s4], s20  }
0x9e: {  	_ =	swait.ge [sflag:s22], s20  }
0x9f: {  	s3 =	ssub.s32 $0x0, s20;
	[sflag:s22] =	ssyncset.done $0x0  }
0xa0: {  	[sflag:s22] =	ssyncadd.s32 s3;
	_ =	sdelay $0x1  }
0xa1: {  	s23 =	simm.s32 $0x1B8B  }
0xa2: {  	_ =	swait.ge [sflag:s23], $0x1  }
0xa3: {  	[sflag:s23] =	ssyncset.done $0x0  }
0xa4: {  	s25 =	simm.s32 $0x1B8E;
	s24 =	sld [smem:$0x3FFE];
	[sflag:s23] =	ssyncadd.s32 $0xFFFFFFFF  }
0xa5: {  	s26 =	simm.s32 $execute0_lowered;
	[smem:$0x3FD2] =	sst s25  }
0xa6: {  	s4 =	sshll.u32 s26, $0x1;
	_ =	strace $0x8000004C;
	[dreg:$0x1] =	wrdreg $0xFFFFFFFF  }
0xa7: {  	s28 =	simm.s32 $_size_execute0_lowered;
	s2 =	sadd.s32 s2, s4;
	[dreg:$0x0] =	wrdreg $0x0  }
0xa8: {  	s4 =	sshll.u32 s28, $0x1;
	[dreg:$0x2] =	wrdreg s2  }
0xa9: {  	[dreg:$0x3] =	wrdreg s4  }
0xaa: {  	[dreg:$0x4] =	wrdreg $0xC0  }
0xab: {  	_ =	task [dreg:s6], $0x5FFFF  }
0xac: {  	[dreg:$0x1] =	wrdreg $0xFFFFFFFF  }
0xad: {  	[dreg:$0x0] =	wrdreg $0x60  }
0xae: {  	[dreg:$0x2] =	wrdreg s24  }
0xaf: {  	[dreg:$0x3] =	wrdreg $0xE0000  }
0xb0: {  	[dreg:$0x4] =	wrdreg $0x9  }
0xb1: {  	_ =	task.clear_ibuf [dreg:s6], $0x5FFFF;
	_ =	strace $0x9000004C  }
0xb2: {  	s29 =	simm.s32 $0x9;
	_ =	strace $0x8000004E  }
0xb3: {  	_ =	swait.ge [sflag:s29], $0x1  }
0xb4: {  	[sflag:s29] =	ssyncadd.s32 $0xFFFFFFFF  }
0xb5: {  	_ =	strace $0x9000004E  }
0xb6: {  	_ =	sfence  }
0xb7: {  	s30 =	sld [smem:$0x0];
	_ =	sdelay $0x2  }
0xb8: {  	s31 =	sshll.u32 s1, $0xD;
	s1 =	sshrl.u32 s1, $0x2  }
0xb9: {  	s3 =	sand.u32 $0x4000, s31;
	s1 =	sadd.s32 s1, s30  }
0xba: {  	s0 =	sor.u32 s3, s0;
	s1 =	sshll.u32 s1, $0x11  }
0xbb: {  	s0 =	sor.u32 s1, s0  }
0xbc: {  	s0 =	sadd.s32 $0x8F2B, s0  }
0xbd: {  	[sflag:s0] =	ssyncadd.remote.s32 $0x1  }
0xbe: {  	_ =	sfence.sel $0xFFFF  }
0xbf: {  	[dreg:$0x0] =	wrdreg $0xFFFFFFFF;
	(pc) =	sbr.abs _section_cstart, $3  }
0xc0: {  	[dreg:$0x1] =	wrdreg $0xFFFFFFFF  }
0xc1: {  	_ =	task.clear_ibuf [dreg:s6], $0x2FFFF;
	_ =	strace $0x9FFFFFFF  }
0xc2: {  	(tm) =	ssettm $0x7FFFFFFF  }
0xc3: {  	_ =	shalt  }
tec
execute0_lowered:
.L_overlay_start_1:
0x0: {  	(tag) =	ssettag $0x1  }
0x1: {  	s5 =	rddreg [dreg:$0x0]  }
0x2: {  	s2 =	rddreg [dreg:$0x1]  }
0x3: {  	s0 =	rddreg [dreg:$0x2];
	s1 =	stileid.u32  }
0x4: {  	s4 =	srdreg.scid;
	s3 =	simm.s32 $0x0;
	s16 =	simm.s32 $0xA000  }
0x5: {  	s17 =	simm.s32 $0x80;
	s18 =	simm.s32 $0xC000;
	s19 =	simm.s32 $0x1  }
0x6: {  	s20 =	simm.s32 $0x2;
	s21 =	simm.s32 $0x9F00;
	s6 =	smul.u32 $0xA00, s1  }
0x7: {  	s22 =	simm.s32 $0x9F80;
	s7 =	sand.u32 $0x1, s4;
	s9 =	smul.u32 $0x28000, s1  }
0x8: {  	[smem:$0x7FF] =	sst s3;
	s4 =	sadd.s32 $0xCA00, s5;
	s14 =	smul.u32 $0xA000, s1  }
0x9: {  	s8 =	smul.u32 $0x14000, s7;
	_ =	strace $0x8000004D;
	s30 =	ssub.s32 $0x2, s7  }
0xa: {  	s6 =	sadd.s32 s6, s5;
	s7 =	sshrl.u32 s30, $0x1;
	s31 =	sshrl.u32 s9, $0x2  }
0xb: {  	s24 =	sshrl.u32 s14, $0x3;
	s13 =	sadd.s32 s8, s5;
	s15 =	ssub.s32 s30, s7  }
0xc: {  	s5 =	sadd.s32 $0x35200, s6;
	s11 =	sadd.s32 s31, s2;
	s6 =	sadd.s32 $0x2A00, s6  }
0xd: {  	s7 =	sadd.s32 s14, s2;
	s14 =	simm.s32 $0x3;
	s8 =	sadd.s32 $0x2000, s11  }
0xe: {  	s9 =	sadd.s32 $0x4000, s11;
	s10 =	sadd.s32 $0x6000, s11;
	s11 =	sadd.s32 $0x8000, s11  }
0xf: {  	s12 =	sadd.s32 $0xCE00, s13;
	s23 =	sadd.s32 $0x8F200, s13;
	s13 =	smax.u32 s15, $0x1  }
0x10: {  	s15 =	simm.s32 $0x5000;
	s23 =	sadd.s32 s24, s23;
	s24 =	simm.s32 $0x0  }
.LBB2_1:
0x11: {  	[tilespmem:s3], [sflag:$0x3] =	stream.linear.gather [hbm4b:s5+s3], $0x5000, $0x38;
	[tilespmem:$0x18000] =	vst v63  }
0x12: {  	_ =	swait.ge [sflag:s14], $0x5000  }
0x13: {  	[sflag:s14] =	ssyncset.done $0x0  }
0x14: {  	[sflag:s14] =	ssyncadd.s32 $0xFFFFB000  }
0x15: {  	[tilespmem:s15], [sflag:$0x3] =	stream.linear.gather [hbm4b:s6+s3], $0x5000, $0x38;
	[tilespmem:$0x18000] =	vst v63  }
0x16: {  	_ =	swait.ge [sflag:s14], $0x5000  }
0x17: {  	[sflag:s14] =	ssyncset.done $0x0  }
0x18: {  	[sflag:s14] =	ssyncadd.s32 $0xFFFFB000  }
0x19: {  	[tilespmem:s16], [sflag:$0x3] =	stream.linear.gather [hbm4b:s4+s3], $0x2000, $0x38;
	[tilespmem:$0x18000] =	vst v63  }
0x1a: {  	_ =	swait.ge [sflag:s14], $0x2000  }
0x1b: {  	[sflag:s14] =	ssyncset.done $0x0  }
0x1c: {  	[sflag:s14] =	ssyncadd.s32 $0xFFFFE000  }
0x1d: {  	[spmem:s7] =	stream.linear.scatter [tilespmem:s16], [sflag:$0x3], $0x2000, $0x38;
	[tilespmem:$0x18000] =	vst v63  }
0x1e: {  	_ =	swait.ge [sflag:s14], $0x2000  }
0x1f: {  	[sflag:s14] =	ssyncset.done $0x0  }
0x20: {  	[sflag:s14] =	ssyncadd.s32 $0xFFFFE000  }
0x21: {  	[spmem:s8] =	stream.linear.scatter [tilespmem:s16], [sflag:$0x3], $0x2000, $0x38;
	[tilespmem:$0x18000] =	vst v63  }
0x22: {  	_ =	swait.ge [sflag:s14], $0x2000  }
0x23: {  	[sflag:s14] =	ssyncset.done $0x0  }
0x24: {  	[sflag:s14] =	ssyncadd.s32 $0xFFFFE000  }
0x25: {  	[spmem:s9] =	stream.linear.scatter [tilespmem:s16], [sflag:$0x3], $0x2000, $0x38;
	[tilespmem:$0x18000] =	vst v63  }
0x26: {  	_ =	swait.ge [sflag:s14], $0x2000  }
0x27: {  	[sflag:s14] =	ssyncset.done $0x0  }
0x28: {  	[sflag:s14] =	ssyncadd.s32 $0xFFFFE000  }
0x29: {  	[spmem:s10] =	stream.linear.scatter [tilespmem:s16], [sflag:$0x3], $0x2000, $0x38;
	[tilespmem:$0x18000] =	vst v63  }
0x2a: {  	_ =	swait.ge [sflag:s14], $0x2000  }
0x2b: {  	[sflag:s14] =	ssyncset.done $0x0  }
0x2c: {  	[sflag:s14] =	ssyncadd.s32 $0xFFFFE000  }
0x2d: {  	[spmem:s11] =	stream.linear.scatter [tilespmem:s16], [sflag:$0x3], $0x2000, $0x38;
	[tilespmem:$0x18000] =	vst v63  }
0x2e: {  	_ =	swait.ge [sflag:s14], $0x2000  }
0x2f: {  	[sflag:s14] =	ssyncset.done $0x0  }
0x30: {  	[sflag:s14] =	ssyncadd.s32 $0xFFFFE000  }
0x31: {  	[bflag:$0x0] =	sbarrier.arrive $0xFFFF  }
0x32: {  	[tilespmem:s16], [sflag:$0x1] =	stream.indirect.gather [hbm4b:s12+s17], $0x40, s3, s17, $0xb8;
	[tilespmem:$0x18000] =	vst v63  }
0x33: {  	_ = 	snop  }
0x34: {  	[tilespmem:s18], [sflag:$0x2] =	stream.indirect.gather [hbm4b:s12+s17], $0x40, s17, s17, $0xb8;
	[tilespmem:$0x18000] =	vst v63  }
0x35: {  	_ =	swait.ge [sflag:s19], $0x2000  }
0x36: {  	[sflag:s19] =	ssyncset.done $0x0  }
0x37: {  	s25 =	simm.s32 $0x5000;
	[sflag:s19] =	ssyncadd.s32 $0xFFFFE000  }
0x38: {  	[spmem:s2] =	stream.indirect.scatter.add.f32 [tilespmem:s16], [sflag:$0x3], $0x40, s25, s17, $0xb8;
	[tilespmem:$0x18000] =	vst v63  }
0x39: {  	_ =	swait.ge [sflag:s14], $0x2000  }
0x3a: {  	[sflag:s14] =	ssyncset.done $0x0  }
0x3b: {  	s30 =	simm.s32 $0x100;
	[sflag:s14] =	ssyncadd.s32 $0xFFFFE000  }
0x3c: {  	[tilespmem:s16], [sflag:$0x1] =	stream.indirect.gather [hbm4b:s12+s17], $0x40, s30, s17, $0xb8;
	[tilespmem:$0x18000] =	vst v63  }
0x3d: {  	_ =	swait.ge [sflag:s20], $0x2000  }
0x3e: {  	[sflag:s20] =	ssyncset.done $0x0  }
0x3f: {  	s31 =	simm.s32 $0x5080;
	[sflag:s20] =	ssyncadd.s32 $0xFFFFE000  }
0x40: {  	[spmem:s2] =	stream.indirect.scatter.add.f32 [tilespmem:s18], [sflag:$0x3], $0x40, s31, s17, $0xb8;
	[tilespmem:$0x18000] =	vst v63  }
0x41: {  	_ =	swait.ge [sflag:s14], $0x2000  }
0x42: {  	[sflag:s14] =	ssyncset.done $0x0  }
0x43: {  	s26 =	simm.s32 $0x180;
	s25 =	simm.s32 $0x400;
	[sflag:s14] =	ssyncadd.s32 $0xFFFFE000  }
.LBB2_2:
0x44: {  	[tilespmem:s18], [sflag:$0x2] =	stream.indirect.gather [hbm4b:s12+s17], $0x40, s26, s17, $0xb8;
	[tilespmem:$0x18000] =	vst v63  }
0x45: {  	s26 =	smov.u32 s25  }
0x46: {  	p0 =	sne.s32 s25, $0x13800;
	s25 =	sadd.s32 $0x400, s25;
	_ =	swait.ge [sflag:s19], $0x2000  }
0x47: {  	s26 =	sshra.s32 s26, $0x2;
	[sflag:s19] =	ssyncset.done $0x0  }
0x48: {  	s28 =	sadd.s32 $0x5000, s26;
	[sflag:s19] =	ssyncadd.s32 $0xFFFFE000  }
0x49: {  	[spmem:s2] =	stream.indirect.scatter.add.f32 [tilespmem:s16], [sflag:$0x3], $0x40, s28, s17, $0xb8;
	[tilespmem:$0x18000] =	vst v63  }
0x4a: {  	_ =	swait.ge [sflag:s14], $0x2000  }
0x4b: {  	[sflag:s14] =	ssyncset.done $0x0  }
0x4c: {  	s28 =	sadd.s32 $0x100, s26;
	[sflag:s14] =	ssyncadd.s32 $0xFFFFE000  }
0x4d: {  	[tilespmem:s16], [sflag:$0x1] =	stream.indirect.gather [hbm4b:s12+s17], $0x40, s28, s17, $0xb8;
	[tilespmem:$0x18000] =	vst v63  }
0x4e: {  	_ =	swait.ge [sflag:s20], $0x2000  }
0x4f: {  	[sflag:s20] =	ssyncset.done $0x0  }
.Ltmp0:
0x50: {  	s28 =	sadd.s32 $0x5080, s26;
	[sflag:s20] =	ssyncadd.s32 $0xFFFFE000;
	(pc) =	sbr.rel @p0 .LBB2_2-.Ltmp0, $4  }
0x51: {  	[spmem:s2] =	stream.indirect.scatter.add.f32 [tilespmem:s18], [sflag:$0x3], $0x40, s28, s17, $0xb8;
	[tilespmem:$0x18000] =	vst v63  }
0x52: {  	_ =	swait.ge [sflag:s14], $0x2000  }
0x53: {  	[sflag:s14] =	ssyncset.done $0x0  }
0x54: {  	s26 =	sadd.s32 $0x180, s26;
	[sflag:s14] =	ssyncadd.s32 $0xFFFFE000  }
0x55: {  	[tilespmem:s18], [sflag:$0x2] =	stream.indirect.gather [hbm4b:s12+s17], $0x40, s26, s17, $0xb8;
	[tilespmem:$0x18000] =	vst v63  }
0x56: {  	_ =	swait.ge [sflag:s19], $0x2000  }
0x57: {  	[sflag:s19] =	ssyncset.done $0x0  }
0x58: {  	[sflag:s19] =	ssyncadd.s32 $0xFFFFE000  }
0x59: {  	[spmem:s2] =	stream.indirect.scatter.add.f32 [tilespmem:s16], [sflag:$0x3], $0x40, s21, s17, $0xb8;
	[tilespmem:$0x18000] =	vst v63  }
0x5a: {  	_ =	swait.ge [sflag:s14], $0x2000  }
0x5b: {  	[sflag:s14] =	ssyncset.done $0x0  }
0x5c: {  	[sflag:s14] =	ssyncadd.s32 $0xFFFFE000  }
0x5d: {  	_ =	swait.ge [sflag:s20], $0x2000  }
0x5e: {  	[sflag:s20] =	ssyncset.done $0x0  }
0x5f: {  	[sflag:s20] =	ssyncadd.s32 $0xFFFFE000  }
0x60: {  	[spmem:s2] =	stream.indirect.scatter.add.f32 [tilespmem:s18], [sflag:$0x3], $0x40, s22, s17, $0xb8;
	[tilespmem:$0x18000] =	vst v63  }
0x61: {  	_ =	swait.ge [sflag:s14], $0x2000  }
0x62: {  	s25 =	sshll.u32 s1, $0x6;
	s24 =	sadd.s32 $0x1, s24;
	[sflag:s14] =	ssyncset.done $0x0  }
0x63: {  	s31 =	sshrl.u32 s7, $0x3;
	p0 =	sne.s32 s24, s13;
	[sflag:s14] =	ssyncadd.s32 $0xFFFFE000  }
.Ltmp1:
0x64: {  	s25 =	sor.u32 $0x1C03, s25;
	[bflag:$0x0] =	sbarrier.arrive $0xFFFF;
	(pc) =	sbr.rel @p0 .LBB2_1-.Ltmp1, $4  }
0x65: {  	[hbm:s23], [sflag:s25] =	dma.local [spmem:s31], $0x1400  }
0x66: {  	_ =	swait.ge [sflag:s14], $0x1400  }
0x67: {  	[sflag:s14] =	ssyncset.done $0x0  }
0x68: {  	[sflag:s14] =	ssyncadd.s32 $0xFFFFEC00  }
0x69: {  	_ =	sfence.sel $0x180000  }
0x6a: {  	[bflag:$0x0] =	sbarrier.arrive $0xFFFF  }
0x6b: {  	p0 =	sne.s32 s1, $0x0;
	_ =	strace $0x9000004D  }
0x6c: {  	s0 =	sadd.s32 @!p0 $0x100000, s0;
	[bflag:$0x2] =	sbarrier.arrive $0xFFFF  }
0x6d: {  	[sflag:s0] =	ssyncadd.tile.s32 @!p0 $0x1;
	_ =	shalt  }
.Lfunc_end2:
_tile_overlayer_lowered:
.L_overlay_start_2:
0x6e: {  	(tag) =	ssettag $0x2  }
0x6f: {  	s0 =	rddreg [dreg:$0x0];
	s2 =	stileid.u32  }
0x70: {  	s1 =	rddreg [dreg:$0x1];
	p0 =	sne.s32 s2, $0x0  }
0x71: {  	s3 =	rddreg [dreg:$0x2];
	[bflag:$0x3] =	sbarrier.arrive $0xFFFF;
	s2 =	simm.s32 @!p0 $0x1C03  }
0x72: {  	[timem:s3], [sflag:s2] =	dma.local @!p0 [hbm:s0], s1  }
0x73: {  	s0 =	simm.s32 @!p0 $0x3  }
0x74: {  	_ =	swait.ge @!p0 [sflag:s0], s1  }
0x75: {  	s1 =	ssub.s32 @!p0 $0x0, s1;
	[sflag:s0] =	ssyncset.done @!p0 $0x0  }
0x76: {  	[sflag:s0] =	ssyncadd.s32 @!p0 s1  }
0x77: {  	[bflag:$0x3] =	sbarrier.arrive $0xFFFF  }
0x78: {  	_ =	shalt  }

// kernel: kernel.8.cloned.1.call-start
scs
__scs_entry_jumppad:
0x0: {  	(pc) =	sbr.rel $0x88, $3  }
0x1: {  	(tag) =	ssettag $0x0;
	lr =	simm.s32 $0x1  }
0x2: {  	[smem:$0x3F94] =	sst lr;
	_ =	strace $0xD0000000  }
0x3: {  	_ = 	snop  }
0x4: {  	_ = 	snop  }
0x5: {  	_ = 	snop  }
0x6: {  	_ = 	snop  }
0x7: {  	_ = 	snop  }
__scs_overlays_trampoline_lowered:
0x8: {  	[smem:$0x3FA3] =	sst s0  }
0x9: {  	[smem:$0x3FA4] =	sst s1  }
0xa: {  	[smem:$0x3FA5] =	sst s2  }
0xb: {  	[smem:$0x3FA6] =	sst s3  }
0xc: {  	[smem:$0x3FA7] =	sst s4  }
0xd: {  	[smem:$0x3FA8] =	sst s5  }
0xe: {  	[smem:$0x3FA9] =	sst s6  }
0xf: {  	[smem:$0x3FAA] =	sst s7  }
0x10: {  	[smem:$0x3FAB] =	sst s8  }
0x11: {  	[smem:$0x3FAC] =	sst s9;
	s0 =	simm.s32 @!p0 $0x0  }
0x12: {  	s1 =	sld [smem:$0x3F92];
	s0 =	simm.s32 @p0 $0x1  }
0x13: {  	[smem:$0x3FAD] =	sst s0;
	s0 =	simm.s32 @!p1 $0x0  }
0x14: {  	s2 =	sld [smem:$0x3F91];
	s0 =	simm.s32 @p1 $0x1  }
0x15: {  	[smem:$0x3FAE] =	sst s0;
	s0 =	simm.s32 @!p2 $0x0  }
0x16: {  	s3 =	sld [smem:$0x3FDB];
	s0 =	simm.s32 @p2 $0x1  }
0x17: {  	s4 =	simm.s32 $0x1BF5;
	[smem:$0x3FB0] =	sst s0  }
0x18: {  	s0 =	sld [smem:$0x3F93];
	_ =	swait.ge [sflag:s4], $0x0  }
0x19: {  	s7 =	sld [smem:$0x3F94]  }
0x1a: {  	s8 =	sadd.s32 $0xFFFFE003, lr  }
0x1b: {  	s9 =	sadd.s32 $0xFFFFFEF7, lr;
	s5 =	simm.s32 $0xFFFFFFFF;
	p2 =	slt.u32 s8, $0xFFFFF086  }
0x1c: {  	p1 =	slt.u32 s9, $0xF7A;
	s5 =	simm.s32 @!p2 $0x0  }
0x1d: {  	s5 =	simm.s32 @p1 $0x1;
	p0 =	seq.s32 s7, s2  }
0x1e: {  	s7 =	smul.u32 @!p0 $0xF7A, s2;
	p2 =	seq.s32 @!p0 s5, $0x0  }
0x1f: {  	s9 =	smul.u32 $0xF7A, s1;
	s8 =	simm.s32 @!p0 $0x1BF5;
	p2 =	por !p2, p0  }
0x20: {  	[sflag:s8] =	ssyncset.s32 @!p0 $0xFFFFF086;
	s6 =	sadd.s32 @!p0 s3, s7;
	s7 =	simm.s32 @!p0 $0x108  }
0x21: {  	s3 =	sadd.s32 s3, s9;
	s6 =	sadd.s32 @!p0 $0x88, s6;
	s7 =	simm.s32 @p2 $0x1082  }
0x22: {  	[simem:s7], [sflag:s8] =	dma.local @!p0 [hbm:s6], $0xF7A  }
0x23: {  	s9 =	sor.u32 $0xD0000000, s2;
	s6 =	simm.s32 $0x108;
	_ =	swait.ge @!p0 [sflag:s8], $0x0  }
0x24: {  	s3 =	sadd.s32 $0x88, s3;
	s6 =	simm.s32 @!p1 $0x1082;
	[sflag:s4] =	ssyncset.s32 $0xFFFFF086  }
0x25: {  	[simem:s6], [sflag:s4] =	dma.local [hbm:s3], $0xF7A  }
0x26: {  	[smem:$0x3F94] =	sst s1;
	(tag) =	ssettag s2;
	_ =	strace s9  }
0x27: {  	s1 =	sld [smem:$0x3FA4]  }
0x28: {  	s2 =	sld [smem:$0x3FA5]  }
0x29: {  	s4 =	sld [smem:$0x3FA7]  }
0x2a: {  	p0 =	seq.s32 s5, $0x0;
	s5 =	sld [smem:$0x3FA8]  }
0x2b: {  	s6 =	sld [smem:$0x3FA9]  }
0x2c: {  	s7 =	sld [smem:$0x3FAA]  }
0x2d: {  	s3 =	simm.s32 $0x108;
	s8 =	sld [smem:$0x3FAB]  }
0x2e: {  	s3 =	simm.s32 @!p0 $0x1082;
	s9 =	sld [smem:$0x3FAC]  }
0x2f: {  	lr =	sadd.s32 s0, s3;
	s0 =	sld [smem:$0x3FA3]  }
0x30: {  	s3 =	sld [smem:$0x3FA6]  }
0x31: {  	[smem:$0x3FAF] =	sst s10  }
0x32: {  	s10 =	sld [smem:$0x3FAD];
	_ =	sdelay $0x3  }
0x33: {  	p0 =	seq.s32 s10, $0x1;
	s10 =	sld [smem:$0x3FAF];
	_ =	sdelay $0x3  }
0x34: {  	[smem:$0x3FAF] =	sst s10  }
0x35: {  	s10 =	sld [smem:$0x3FAE];
	_ =	sdelay $0x3  }
0x36: {  	p1 =	seq.s32 s10, $0x1;
	s10 =	sld [smem:$0x3FAF];
	_ =	sdelay $0x3  }
0x37: {  	[smem:$0x3FAF] =	sst s10  }
0x38: {  	s10 =	sld [smem:$0x3FB0]  }
0x39: {  	_ = 	snop;
	(pc) =	sbr.ind lr, $3  }
0x3a: {  	_ = 	snop  }
0x3b: {  	_ = 	snop  }
0x3c: {  	p2 =	seq.s32 s10, $0x1;
	s10 =	sld [smem:$0x3FAF]  }
0x3d: {  	_ =	shalt  }
0x3e: {  	_ =	shalt  }
0x3f: {  	_ =	shalt  }
0x40: {  	_ =	shalt  }
0x41: {  	_ =	shalt  }
0x42: {  	_ =	shalt  }
0x43: {  	_ =	shalt  }
0x44: {  	_ =	shalt  }
0x45: {  	_ =	shalt  }
0x46: {  	_ =	shalt  }
0x47: {  	_ =	shalt  }
0x48: {  	_ =	shalt  }
0x49: {  	_ =	shalt  }
0x4a: {  	_ =	shalt  }
0x4b: {  	_ =	shalt  }
0x4c: {  	_ =	shalt  }
0x4d: {  	_ =	shalt  }
0x4e: {  	_ =	shalt  }
0x4f: {  	_ =	shalt  }
0x50: {  	_ =	shalt  }
0x51: {  	_ =	shalt  }
0x52: {  	_ =	shalt  }
0x53: {  	_ =	shalt  }
0x54: {  	_ =	shalt  }
0x55: {  	_ =	shalt  }
0x56: {  	_ =	shalt  }
0x57: {  	_ =	shalt  }
0x58: {  	_ =	shalt  }
0x59: {  	_ =	shalt  }
0x5a: {  	_ =	shalt  }
0x5b: {  	_ =	shalt  }
0x5c: {  	_ =	shalt  }
0x5d: {  	_ =	shalt  }
0x5e: {  	_ =	shalt  }
0x5f: {  	_ =	shalt  }
0x60: {  	_ =	shalt  }
0x61: {  	_ =	shalt  }
0x62: {  	_ =	shalt  }
0x63: {  	_ =	shalt  }
0x64: {  	_ =	shalt  }
0x65: {  	_ =	shalt  }
0x66: {  	_ =	shalt  }
0x67: {  	_ =	shalt  }
0x68: {  	_ =	shalt  }
0x69: {  	_ =	shalt  }
0x6a: {  	_ =	shalt  }
0x6b: {  	_ =	shalt  }
0x6c: {  	_ =	shalt  }
0x6d: {  	_ =	shalt  }
0x6e: {  	_ =	shalt  }
0x6f: {  	_ =	shalt  }
0x70: {  	_ =	shalt  }
0x71: {  	_ =	shalt  }
0x72: {  	_ =	shalt  }
0x73: {  	_ =	shalt  }
0x74: {  	_ =	shalt  }
0x75: {  	_ =	shalt  }
0x76: {  	_ =	shalt  }
0x77: {  	_ =	shalt  }
0x78: {  	_ =	shalt  }
0x79: {  	_ =	shalt  }
0x7a: {  	_ =	shalt  }
0x7b: {  	_ =	shalt  }
0x7c: {  	_ =	shalt  }
0x7d: {  	_ =	shalt  }
0x7e: {  	_ =	shalt  }
0x7f: {  	_ =	shalt  }
0x80: {  	_ =	shalt  }
0x81: {  	_ =	shalt  }
0x82: {  	_ =	shalt  }
0x83: {  	_ =	shalt  }
0x84: {  	_ =	shalt  }
0x85: {  	_ =	shalt  }
0x86: {  	_ =	shalt  }
0x87: {  	_ =	shalt  }
.Lfunc_end0:
.L_simem_size_0:
called_computation_lowered:
.L_overlay_start_0:
0x88: {  	s2 =	sld [smem:$0x3FD9]  }
0x89: {  	s3 =	sld [smem:$0x3FFE];
	_ =	sdelay $0x1  }
0x8a: {  	s1 =	srdreg.scid  }
0x8b: {  	s0 =	sand.u32 $0x1, s1  }
0x8c: {  	s16 =	sshll.u32 s0, $0xA;
	s2 =	sadd.s32 s3, s2  }
0x8d: {  	s2 =	sadd.s32 s2, s16  }
0x8e: {  	[smem:$0x3FBB] =	sst s2  }
0x8f: {  	_ = 	snop  }
0x90: {  	(tm) =	ssettm $0x1  }
0x91: {  	s17 =	sld [smem:$0x3FFB];
	_ =	sdelay $0x3  }
0x92: {  	_ =	strace s17  }
0x93: {  	s2 =	sld [smem:$0x3FFC];
	_ =	sdelay $0x3  }
0x94: {  	_ =	strace s2  }
0x95: {  	s2 =	sld [smem:$0x3FFD];
	_ =	sdelay $0x3  }
0x96: {  	_ =	strace s2  }
0x97: {  	_ =	strace $0x8FFFFFFF  }
0x98: {  	s18 =	sld [smem:$0x3FDB];
	_ =	sdelay $0x1  }
0x99: {  	s19 =	simm.s32 $_scs_section_size  }
0x9a: {  	s4 =	simm.s32 $_size__tile_overlayer_lowered;
	s5 =	simm.s32 $_tile_overlayer_lowered  }
0x9b: {  	s22 =	simm.s32 $0x1BFF;
	s21 =	sshll.u32 s5, $0x1;
	s2 =	sadd.s32 s19, s18  }
0x9c: {  	s6 =	simm.s32 $0x0;
	s20 =	sshll.u32 s4, $0x1;
	s4 =	sadd.s32 s21, s2  }
0x9d: {  	[timem:s6], [sflag:s22] =	dma.local [hbm:s4], s20  }
0x9e: {  	_ =	swait.ge [sflag:s22], s20  }
0x9f: {  	s3 =	ssub.s32 $0x0, s20;
	[sflag:s22] =	ssyncset.done $0x0  }
0xa0: {  	[sflag:s22] =	ssyncadd.s32 s3;
	_ =	sdelay $0x1  }
0xa1: {  	s23 =	simm.s32 $0x1B8B  }
0xa2: {  	_ =	swait.ge [sflag:s23], $0x1  }
0xa3: {  	[sflag:s23] =	ssyncset.done $0x0  }
0xa4: {  	s25 =	simm.s32 $0x1B8E;
	s24 =	sld [smem:$0x3FFE];
	[sflag:s23] =	ssyncadd.s32 $0xFFFFFFFF  }
0xa5: {  	s26 =	simm.s32 $execute0_lowered;
	[smem:$0x3FD2] =	sst s25  }
0xa6: {  	s4 =	sshll.u32 s26, $0x1;
	_ =	strace $0x80000046;
	[dreg:$0x1] =	wrdreg $0xFFFFFFFF  }
0xa7: {  	s28 =	simm.s32 $_size_execute0_lowered;
	s2 =	sadd.s32 s2, s4;
	[dreg:$0x0] =	wrdreg $0x0  }
0xa8: {  	s4 =	sshll.u32 s28, $0x1;
	[dreg:$0x2] =	wrdreg s2  }
0xa9: {  	[dreg:$0x3] =	wrdreg s4  }
0xaa: {  	[dreg:$0x4] =	wrdreg $0xC0  }
0xab: {  	_ =	task [dreg:s6], $0x5FFFF  }
0xac: {  	[dreg:$0x1] =	wrdreg $0xFFFFFFFF  }
0xad: {  	[dreg:$0x0] =	wrdreg $0x60  }
0xae: {  	[dreg:$0x2] =	wrdreg s24  }
0xaf: {  	[dreg:$0x3] =	wrdreg $0x48000  }
0xb0: {  	[dreg:$0x4] =	wrdreg $0x9  }
0xb1: {  	_ =	task.clear_ibuf [dreg:s6], $0x5FFFF;
	_ =	strace $0x90000046  }
0xb2: {  	s29 =	simm.s32 $0x9;
	_ =	strace $0x80000048  }
0xb3: {  	_ =	swait.ge [sflag:s29], $0x1  }
0xb4: {  	[sflag:s29] =	ssyncadd.s32 $0xFFFFFFFF  }
0xb5: {  	_ =	strace $0x90000048  }
0xb6: {  	_ =	sfence  }
0xb7: {  	s30 =	sld [smem:$0x0];
	_ =	sdelay $0x2  }
0xb8: {  	s31 =	sshll.u32 s1, $0xD;
	s1 =	sshrl.u32 s1, $0x2  }
0xb9: {  	s3 =	sand.u32 $0x4000, s31;
	s1 =	sadd.s32 s1, s30  }
0xba: {  	s0 =	sor.u32 s3, s0;
	s1 =	sshll.u32 s1, $0x11  }
0xbb: {  	s0 =	sor.u32 s1, s0  }
0xbc: {  	s0 =	sadd.s32 $0x8F2B, s0  }
0xbd: {  	[sflag:s0] =	ssyncadd.remote.s32 $0x1  }
0xbe: {  	_ =	sfence.sel $0xFFFF  }
0xbf: {  	[dreg:$0x0] =	wrdreg $0xFFFFFFFF;
	(pc) =	sbr.abs _section_cstart, $3  }
0xc0: {  	[dreg:$0x1] =	wrdreg $0xFFFFFFFF  }
0xc1: {  	_ =	task.clear_ibuf [dreg:s6], $0x2FFFF;
	_ =	strace $0x9FFFFFFF  }
0xc2: {  	(tm) =	ssettm $0x7FFFFFFF  }
0xc3: {  	_ =	shalt  }
tec
execute0_lowered:
.L_overlay_start_1:
0x0: {  	(tag) =	ssettag $0x1  }
0x1: {  	s0 =	srdreg.scid;
	s6 =	rddreg [dreg:$0x0]  }
0x2: {  	s2 =	rddreg [dreg:$0x1];
	s3 =	simm.s32 $0x0;
	s15 =	simm.s32 $0x80  }
0x3: {  	s19 =	simm.s32 $0x0;
	s5 =	sand.u32 $0x1, s0;
	s0 =	stileid.u32  }
0x4: {  	[smem:$0x7FF] =	sst s3;
	s1 =	sshll.u32 s5, $0x4;
	s8 =	smul.u32 $0x14000, s5  }
0x5: {  	s9 =	ssub.s32 $0x2, s5;
	s10 =	smul.u32 $0x28000, s0;
	s5 =	sadd.s32 $0xCA00, s6  }
0x6: {  	s12 =	smul.u32 $0xA000, s0;
	s31 =	sshll.u32 s0, $0x6;
	s4 =	sor.u32 s0, s1  }
0x7: {  	s1 =	rddreg [dreg:$0x2];
	_ =	strace $0x80000047;
	s11 =	sshrl.u32 s9, $0x1  }
0x8: {  	s4 =	smul.u32 $0x500, s4;
	s13 =	sadd.s32 s8, s6;
	s29 =	sshrl.u32 s10, $0x2  }
0x9: {  	s14 =	ssub.s32 s9, s11;
	s17 =	sshrl.u32 s12, $0x3;
	s30 =	sadd.s32 s29, s2  }
0xa: {  	s16 =	sadd.s32 $0xD200, s13;
	s13 =	simm.s32 $0x1;
	s7 =	sadd.s32 s4, s6  }
0xb: {  	s4 =	sadd.s32 $0xCE00, s6;
	s8 =	sadd.s32 $0x2000, s30;
	s9 =	sadd.s32 $0x4000, s30  }
0xc: {  	s10 =	sadd.s32 $0x6000, s30;
	s11 =	sadd.s32 $0x8000, s30;
	s16 =	sadd.s32 s17, s16  }
0xd: {  	s17 =	sor.u32 $0x1C01, s31;
	s6 =	sadd.s32 $0x2A00, s7;
	s7 =	sadd.s32 s12, s2  }
0xe: {  	s12 =	smax.u32 s14, $0x1;
	s14 =	simm.s32 $0x2800;
	s18 =	sshrl.u32 s7, $0x3  }
.LBB2_1:
0xf: {  	[tilespmem:s3], [sflag:$0x1] =	stream.linear.gather [hbm4b:s6+s3], $0x2800, $0x38;
	[tilespmem:$0xE800] =	vst v63  }
0x10: {  	_ =	swait.ge [sflag:s13], $0x2800  }
0x11: {  	[sflag:s13] =	ssyncset.done $0x0  }
0x12: {  	[sflag:s13] =	ssyncadd.s32 $0xFFFFD800  }
0x13: {  	[tilespmem:s14], [sflag:$0x1] =	stream.linear.gather [hbm4b:s5+s3], $0x2000, $0x38;
	[tilespmem:$0xE800] =	vst v63  }
0x14: {  	_ =	swait.ge [sflag:s13], $0x2000  }
0x15: {  	[sflag:s13] =	ssyncset.done $0x0  }
0x16: {  	[sflag:s13] =	ssyncadd.s32 $0xFFFFE000  }
0x17: {  	[spmem:s7] =	stream.linear.scatter [tilespmem:s14], [sflag:$0x1], $0x2000, $0x38;
	[tilespmem:$0xE800] =	vst v63  }
0x18: {  	_ =	swait.ge [sflag:s13], $0x2000  }
0x19: {  	[sflag:s13] =	ssyncset.done $0x0  }
0x1a: {  	[sflag:s13] =	ssyncadd.s32 $0xFFFFE000  }
0x1b: {  	[spmem:s8] =	stream.linear.scatter [tilespmem:s14], [sflag:$0x1], $0x2000, $0x38;
	[tilespmem:$0xE800] =	vst v63  }
0x1c: {  	_ =	swait.ge [sflag:s13], $0x2000  }
0x1d: {  	[sflag:s13] =	ssyncset.done $0x0  }
0x1e: {  	[sflag:s13] =	ssyncadd.s32 $0xFFFFE000  }
0x1f: {  	[spmem:s9] =	stream.linear.scatter [tilespmem:s14], [sflag:$0x1], $0x2000, $0x38;
	[tilespmem:$0xE800] =	vst v63  }
0x20: {  	_ =	swait.ge [sflag:s13], $0x2000  }
0x21: {  	[sflag:s13] =	ssyncset.done $0x0  }
0x22: {  	[sflag:s13] =	ssyncadd.s32 $0xFFFFE000  }
0x23: {  	[spmem:s10] =	stream.linear.scatter [tilespmem:s14], [sflag:$0x1], $0x2000, $0x38;
	[tilespmem:$0xE800] =	vst v63  }
0x24: {  	_ =	swait.ge [sflag:s13], $0x2000  }
0x25: {  	[sflag:s13] =	ssyncset.done $0x0  }
0x26: {  	[sflag:s13] =	ssyncadd.s32 $0xFFFFE000  }
0x27: {  	[spmem:s11] =	stream.linear.scatter [tilespmem:s14], [sflag:$0x1], $0x2000, $0x38;
	[tilespmem:$0xE800] =	vst v63  }
0x28: {  	_ =	swait.ge [sflag:s13], $0x2000  }
0x29: {  	[sflag:s13] =	ssyncset.done $0x0  }
0x2a: {  	[sflag:s13] =	ssyncadd.s32 $0xFFFFE000  }
0x2b: {  	[tilespmem:s14], [sflag:$0x1] =	stream.linear.gather [hbm4b:s4+s3], $0x2000, $0x38;
	[tilespmem:$0xE800] =	vst v63  }
0x2c: {  	_ =	swait.ge [sflag:s13], $0x2000  }
0x2d: {  	[sflag:s13] =	ssyncset.done $0x0  }
0x2e: {  	[sflag:s13] =	ssyncadd.s32 $0xFFFFE000  }
0x2f: {  	s20 =	simm.s32 $0x0;
	[bflag:$0x0] =	sbarrier.arrive $0xFFFF  }
0x30: {  	[spmem:s2] =	stream.indirect.scatter.add.f32 [tilespmem:s14], [sflag:$0x1], $0x40, s20, s15, $0xb8;
	[tilespmem:$0xE800] =	vst v63  }
0x31: {  	_ =	swait.ge [sflag:s13], $0x2000  }
0x32: {  	s20 =	simm.s32 $0x200;
	[sflag:s13] =	ssyncset.done $0x0  }
.LBB2_2:
0x33: {  	s21 =	sshra.s32 s20, $0x2;
	[sflag:s13] =	ssyncadd.s32 $0xFFFFE000;
	p0 =	sne.s32 s20, $0x9E00  }
0x34: {  	[spmem:s2] =	stream.indirect.scatter.add.f32 [tilespmem:s14], [sflag:$0x1], $0x40, s21, s15, $0xb8;
	[tilespmem:$0xE800] =	vst v63  }
.Ltmp0:
0x35: {  	_ = 	snop;
	(pc) =	sbr.rel @p0 .LBB2_2-.Ltmp0, $4  }
0x36: {  	_ = 	snop  }
0x37: {  	s20 =	sadd.s32 $0x200, s20  }
0x38: {  	_ =	swait.ge [sflag:s13], $0x2000  }
0x39: {  	[sflag:s13] =	ssyncset.done $0x0  }
0x3a: {  	s19 =	sadd.s32 $0x1, s19  }
0x3b: {  	[sflag:s13] =	ssyncadd.s32 $0xFFFFE000;
	p0 =	sne.s32 s19, s12  }
.Ltmp1:
0x3c: {  	[bflag:$0x0] =	sbarrier.arrive $0xFFFF;
	(pc) =	sbr.rel @p0 .LBB2_1-.Ltmp1, $4  }
0x3d: {  	[hbm:s16], [sflag:s17] =	dma.local [spmem:s18], $0x1400  }
0x3e: {  	_ =	swait.ge [sflag:s13], $0x1400  }
0x3f: {  	[sflag:s13] =	ssyncset.done $0x0  }
0x40: {  	[sflag:s13] =	ssyncadd.s32 $0xFFFFEC00  }
0x41: {  	_ =	sfence.sel $0x180000  }
0x42: {  	[bflag:$0x0] =	sbarrier.arrive $0xFFFF  }
0x43: {  	p0 =	sne.s32 s0, $0x0;
	_ =	strace $0x90000047  }
0x44: {  	s0 =	sadd.s32 @!p0 $0x100000, s1;
	[bflag:$0x2] =	sbarrier.arrive $0xFFFF  }
0x45: {  	[sflag:s0] =	ssyncadd.tile.s32 @!p0 $0x1;
	_ =	shalt  }
.Lfunc_end2:
_tile_overlayer_lowered:
.L_overlay_start_2:
0x46: {  	(tag) =	ssettag $0x2  }
0x47: {  	s0 =	rddreg [dreg:$0x0];
	s2 =	stileid.u32  }
0x48: {  	s1 =	rddreg [dreg:$0x1];
	p0 =	sne.s32 s2, $0x0  }
0x49: {  	s3 =	rddreg [dreg:$0x2];
	[bflag:$0x3] =	sbarrier.arrive $0xFFFF;
	s2 =	simm.s32 @!p0 $0x1C01  }
0x4a: {  	[timem:s3], [sflag:s2] =	dma.local @!p0 [hbm:s0], s1  }
0x4b: {  	s0 =	simm.s32 @!p0 $0x1  }
0x4c: {  	_ =	swait.ge @!p0 [sflag:s0], s1  }
0x4d: {  	s1 =	ssub.s32 @!p0 $0x0, s1;
	[sflag:s0] =	ssyncset.done @!p0 $0x0  }
0x4e: {  	[sflag:s0] =	ssyncadd.s32 @!p0 s1  }
0x4f: {  	[bflag:$0x3] =	sbarrier.arrive $0xFFFF  }
0x50: {  	_ =	shalt  }

</sc_bundles>
